<compile_context>
chip_gen: v7x
topology: tpu7x:2x2x1
jax: 0.10.2.dev20260603
libtpu: 0.0.44.dev20260713+nightly
codegen_flags: <defaults>
</compile_context>

<pallas_src>
import functools

import jax
import jax.numpy as jnp
from jax import lax
from jax.experimental import pallas as pl
from jax.experimental.pallas import tpu as pltpu
from jax.experimental.pallas import tpu_sc as plsc

DMODEL = 1024
H = DMODEL // 2
DQK = 64
HEADS = 16
HD = HEADS * DQK
FF = 2048
NB = 64
PEN = 100000.0
D = 2
N = 4096
T = D * N
CH = 128
BC = 8
NCHUNK = T // CH

_F32 = jnp.float32


HBLK = 1024
NHSTEP = T // HBLK


def _hash_sort_body(x_ref, wqk_ref, bqk_ref, hm_ref, x2_ref, p_ref, h_acc):
    i = pl.program_id(0)

    @pl.when(i < NHSTEP)
    def _hash():
        x2 = x_ref[...]
        x2_ref[...] = x2
        qk = jnp.dot(x2, wqk_ref[...],
                     preferred_element_type=_F32) + bqk_ref[...]
        proj = jnp.dot(qk, hm_ref[...], preferred_element_type=_F32)
        m = jnp.maximum(jnp.max(proj, axis=1, keepdims=True),
                        jnp.max(-proj, axis=1, keepdims=True))
        io = lax.broadcasted_iota(jnp.int32, (HBLK, NB // 2), 1)
        big = jnp.int32(2 * NB)
        i1 = jnp.min(jnp.where(proj == m, io, big), axis=1, keepdims=True)
        i2 = jnp.min(jnp.where(-proj == m, io + (NB // 2), big), axis=1,
                     keepdims=True)
        h_acc[pl.ds(i * HBLK, HBLK), :] = jnp.minimum(i1, i2)

    @pl.when(i >= NHSTEP)
    def _sort():
        b = i - NHSTEP
        h = h_acc[pl.ds(b * N, N), :]
        buckets = lax.broadcasted_iota(jnp.int32, (N, NB), 1)
        onehot = (h == buckets).astype(_F32)
        counts = jnp.sum(onehot, axis=0, keepdims=True)
        r0 = lax.broadcasted_iota(jnp.int32, (NB, NB), 0)
        c0 = lax.broadcasted_iota(jnp.int32, (NB, NB), 1)
        lt = (r0 < c0).astype(_F32)
        starts = jnp.dot(counts, lt, preferred_element_type=_F32)
        tb = 512
        nblk = N // tb
        r1 = lax.broadcasted_iota(jnp.int32, (tb, tb), 0)
        c1 = lax.broadcasted_iota(jnp.int32, (tb, tb), 1)
        lstrict = (c1 < r1).astype(_F32)
        run = starts
        for j in range(nblk):
            ob = lax.slice(onehot, (j * tb, 0), ((j + 1) * tb, NB))
            cb = jnp.dot(lstrict, ob, preferred_element_type=_F32) + run
            pb = jnp.sum(cb * ob, axis=1, keepdims=True)
            run = run + jnp.sum(ob, axis=0, keepdims=True)
            p_ref[0, j, :] = pb[:, 0].astype(jnp.int32) + b * N


def _hash_and_sort(xf, wqk, bqk, hm):
    nstep = NHSTEP + D
    x2f, p = pl.pallas_call(
        _hash_sort_body,
        grid=(nstep,),
        in_specs=[
            pl.BlockSpec((HBLK, H), lambda i: (jnp.minimum(i, NHSTEP - 1), 1)),
            pl.BlockSpec((H, HD), lambda i: (0, 0)),
            pl.BlockSpec((1, HD), lambda i: (0, 0)),
            pl.BlockSpec((HD, NB // 2), lambda i: (0, 0)),
        ],
        out_specs=[
            pl.BlockSpec((HBLK, H), lambda i: (jnp.minimum(i, NHSTEP - 1), 0)),
            pl.BlockSpec((1, N // 512, 512),
                         lambda i: (jnp.maximum(i - NHSTEP, 0), 0, 0)),
        ],
        out_shape=[
            jax.ShapeDtypeStruct((T, H), _F32),
            jax.ShapeDtypeStruct((D, N // 512, 512), jnp.int32),
        ],
        scratch_shapes=[pltpu.VMEM((T, 1), jnp.int32)],
        compiler_params=pltpu.CompilerParams(
            dimension_semantics=("arbitrary",)),
    )(xf, wqk, bqk, hm)
    return x2f, p.reshape(T)


RC = 64


def _sc_permute(x2f, pos2d):
    info = plsc.get_sparse_core_info()
    nw = info.num_cores * info.num_subcores
    per_w = T // nw
    nchunk = per_w // RC
    mesh = plsc.VectorSubcoreMesh(core_axis_name="c", subcore_axis_name="s")

    @functools.partial(
        pl.kernel,
        mesh=mesh,
        out_type=jax.ShapeDtypeStruct((T, H), _F32),
        scratch_types=[
            pltpu.VMEM((nchunk, RC), jnp.int32),
            pltpu.VMEM((RC, H), _F32),
            pltpu.VMEM((RC, H), _F32),
            pltpu.VMEM((RC, H), _F32),
            pltpu.SemaphoreType.DMA,
            pltpu.SemaphoreType.DMA,
            pltpu.SemaphoreType.DMA,
            pltpu.SemaphoreType.DMA,
            pltpu.SemaphoreType.DMA,
            pltpu.SemaphoreType.DMA,
        ],
    )
    def scatter_k(tab_hbm, idx_hbm, out_hbm, idx_v, b0, b1, b2,
                  l0, l1, l2, s0, s1, s2):
        wid = lax.axis_index("s") * info.num_cores + lax.axis_index("c")
        base = wid * per_w
        pltpu.sync_copy(idx_hbm.at[pl.ds(wid * nchunk, nchunk)], idx_v)
        bufs = [b0, b1, b2]
        lsems = [l0, l1, l2]
        ssems = [s0, s1, s2]

        def load(j, b):
            return pltpu.async_copy(tab_hbm.at[pl.ds(base + j * RC, RC)],
                                    bufs[b], lsems[b])

        def scat(j, b):
            return pltpu.async_copy(bufs[b], out_hbm.at[idx_v.at[j]],
                                    ssems[b])

        loads = {0: load(0, 0), 1: load(1, 1)}
        scats = {}
        for j in range(nchunk):
            b = j % 3
            loads[j].wait()
            scats[j] = scat(j, b)
            nj = j + 2
            if nj < nchunk:
                if nj - 3 >= 0:
                    scats[nj - 3].wait()
                loads[nj] = load(nj, nj % 3)
        for j in range(max(nchunk - 3, 1), nchunk):
            scats[j].wait()

    return scatter_k(x2f, pos2d)
def _tail_body(x_ref, x2g_ref, wqk_ref, bqk_ref, wv_ref, bv_ref,
               wu_ref, bu_ref, n1g_ref, n1b_ref,
               w1_ref, b1_ref, w2_ref, b2_ref, n2g_ref, n2b_ref, o_ref):
    x2g = x2g_ref[...]
    qkf = jnp.dot(x2g, wqk_ref[...], preferred_element_type=_F32) + bqk_ref[...]
    valsf = jnp.dot(x2g, wv_ref[...], preferred_element_type=_F32) + bv_ref[...]
    rr = lax.broadcasted_iota(jnp.int32, (CH, CH), 0)
    cc = lax.broadcasted_iota(jnp.int32, (CH, CH), 1)
    parts = []
    for sub in range(BC):
        q = lax.slice(qkf, (sub * CH, 0), ((sub + 1) * CH, HD))
        v = lax.slice(valsf, (sub * CH, 0), ((sub + 1) * CH, HD))
        s = lax.dot_general(q, q, (((1,), (1,)), ((), ())),
                            preferred_element_type=_F32) * _F32(1.0 / 8.0)
        s = jnp.where(rr == cc, s / _F32(PEN), s)
        parts.append(jnp.dot(s, v, preferred_element_type=_F32))
    attn = jnp.concatenate(parts, axis=0)
    ua = jnp.dot(attn, wu_ref[...], preferred_element_type=_F32) + bu_ref[...]

    x1 = x_ref[:, :H]
    x2 = x_ref[:, H:]
    t1 = x1 + ua
    mu = jnp.mean(t1, axis=1, keepdims=True)
    var = jnp.mean((t1 - mu) ** 2, axis=1, keepdims=True)
    y1 = (t1 - mu) / jnp.sqrt(var + _F32(1e-5)) * n1g_ref[...] + n1b_ref[...]

    ff = jnp.maximum(jnp.dot(y1, w1_ref[...], preferred_element_type=_F32)
                     + b1_ref[...], _F32(0.0))
    ffo = jnp.dot(ff, w2_ref[...], preferred_element_type=_F32) + b2_ref[...]
    t2 = x2 + ffo
    mu2 = jnp.mean(t2, axis=1, keepdims=True)
    var2 = jnp.mean((t2 - mu2) ** 2, axis=1, keepdims=True)
    y2 = (t2 - mu2) / jnp.sqrt(var2 + _F32(1e-5)) * n2g_ref[...] + n2b_ref[...]

    o_ref[:, :H] = y1
    o_ref[:, H:] = y2


def _attention_tail(xf, x2g, wqk, bqk, wv, bv, wu, bu, n1g, n1b,
                    w1, b1, w2, b2, n2g, n2b):
    res = lambda shape: pl.BlockSpec(shape, lambda c: tuple(0 for _ in shape))
    return pl.pallas_call(
        _tail_body,
        grid=(NCHUNK // BC,),
        in_specs=[
            pl.BlockSpec((BC * CH, DMODEL), lambda c: (c, 0)),
            pl.BlockSpec((BC * CH, H), lambda c: (c, 0)),
            res((H, HD)), res((1, HD)),
            res((H, HD)), res((1, HD)),
            res((HD, H)), res((1, H)),
            res((1, H)), res((1, H)),
            res((H, FF)), res((1, FF)),
            res((FF, H)), res((1, H)),
            res((1, H)), res((1, H)),
        ],
        out_specs=pl.BlockSpec((BC * CH, DMODEL), lambda c: (c, 0)),
        out_shape=jax.ShapeDtypeStruct((T, DMODEL), _F32),
    )(xf, x2g, wqk, bqk, wv, bv, wu, bu, n1g, n1b, w1, b1, w2, b2, n2g, n2b)


def kernel(x, Wqk_w, Wqk_b, Wv_w, Wv_b, unify_w, unify_b, n1_g, n1_b,
           ff_w1, ff_b1, ff_w2, ff_b2, n2_g, n2_b, hashM):
    xf = x.reshape(T, DMODEL)
    r = lambda v: v.reshape(1, -1)
    x2f, pos = _hash_and_sort(xf, Wqk_w, r(Wqk_b), hashM)
    x2g = _sc_permute(x2f, pos.reshape(T // RC, RC))
    out = _attention_tail(xf, x2g, Wqk_w, r(Wqk_b), Wv_w, r(Wv_b),
                          unify_w, r(unify_b), r(n1_g), r(n1_b),
                          ff_w1, r(ff_b1), ff_w2, r(ff_b2), r(n2_g), r(n2_b))
    return out.reshape(D, N, DMODEL)

# --- scband reference (transcript-rebuilt; emitter-appended) ---
"""Pipeline reference for scband-reformer-encoder-17849884082541 (READ-ONLY COPY).

The authoritative reference and input builder live on the scoring server;
editing this copy changes nothing except your own understanding.
"""

import jax, jax.numpy as jnp
import numpy as np

DMODEL = 1024; DQK = 64; DV = 64; HEADS = 16; FF = 2048; NB = 64; PEN = 100000.0
D = 2; N = 4096


def _ln(x, g, b, eps=1e-5):
    mu = jnp.mean(x, axis=-1, keepdims=True)
    var = jnp.mean((x - mu) ** 2, axis=-1, keepdims=True)
    return (x - mu) / jnp.sqrt(var + eps) * g + b


def setup_inputs(seed: int = 0):
    key = jax.random.key(seed)
    ks = jax.random.split(key, 8)
    h = DMODEL // 2

    def lin(k, fi, fo):
        s = 1.0 / np.sqrt(fi)
        k1, k2 = jax.random.split(k)
        w = jax.random.uniform(k1, (fi, fo), minval=-s, maxval=s, dtype=jnp.float32)
        b = jax.random.uniform(k2, (fo,), minval=-s, maxval=s, dtype=jnp.float32)
        return w, b

    x = jax.random.normal(ks[0], (D, N, DMODEL), dtype=jnp.float32)
    Wqk_w, Wqk_b = lin(ks[1], h, HEADS * DQK)
    Wv_w, Wv_b = lin(ks[2], h, HEADS * DV)
    unify_w, unify_b = lin(ks[3], HEADS * DV, h)
    ff_w1, ff_b1 = lin(ks[4], h, FF)
    ff_w2, ff_b2 = lin(ks[5], FF, h)
    hashM = jax.random.normal(ks[6], (HEADS * DQK, NB // 2), dtype=jnp.float32)
    n1_g = jnp.ones((h,), jnp.float32); n1_b = jnp.zeros((h,), jnp.float32)
    n2_g = jnp.ones((h,), jnp.float32); n2_b = jnp.zeros((h,), jnp.float32)
    return {"x": x, "Wqk_w": Wqk_w, "Wqk_b": Wqk_b, "Wv_w": Wv_w, "Wv_b": Wv_b,
            "unify_w": unify_w, "unify_b": unify_b, "n1_g": n1_g, "n1_b": n1_b,
            "ff_w1": ff_w1, "ff_b1": ff_b1, "ff_w2": ff_w2, "ff_b2": ff_b2,
            "n2_g": n2_g, "n2_b": n2_b, "hashM": hashM}


def reference(x, Wqk_w, Wqk_b, Wv_w, Wv_b, unify_w, unify_b, n1_g, n1_b,
              ff_w1, ff_b1, ff_w2, ff_b2, n2_g, n2_b, hashM):
    d, n = x.shape[0], x.shape[1]
    h = DMODEL // 2
    x1 = x[:, :, :h]
    x2 = x[:, :, h:]
    ch = 2 * (n // NB)
    nc = NB // 2
    # LSH attention on x2
    qk = x2 @ Wqk_w + Wqk_b
    proj1 = qk @ hashM
    proj2 = (-qk) @ hashM
    hashes = jnp.argmax(jnp.concatenate([proj1, proj2], axis=-1), axis=-1)
    sorted_idx = jnp.argsort(hashes, axis=-1).reshape(-1)
    offset = jnp.repeat(jnp.arange(d, dtype=sorted_idx.dtype) * n, n)
    indices = offset + sorted_idx
    qkf = jnp.take(qk.reshape(-1, HEADS * DQK), indices, axis=0).reshape(d * nc, ch, HEADS * DQK)
    scores = jnp.einsum('bik,bjk->bij', qkf, qkf) / (DQK ** 0.5)
    diag = 1.0 + jnp.eye(ch, dtype=jnp.float32) * (PEN - 1.0)
    scores = scores / diag
    vals = x2 @ Wv_w + Wv_b
    valsf = jnp.take(vals.reshape(-1, HEADS * DV), indices, axis=0).reshape(d * nc, ch, HEADS * DV)
    attn = jnp.einsum('bij,bjk->bik', scores, valsf).reshape(d, n, HEADS * DV)
    uattn = attn @ unify_w + unify_b
    y1 = _ln(x1 + uattn, n1_g, n1_b)
    ffo = jnp.maximum(y1 @ ff_w1 + ff_b1, 0.0) @ ff_w2 + ff_b2
    y2 = _ln(x2 + ffo, n2_g, n2_b)
    return jnp.concatenate([y1, y2], axis=-1)

if __name__ == "__main__":
    import jax
    _d = setup_inputs()
    print(jax.jit(kernel)(*tuple(_d.values())))

</pallas_src>

<mosaic_0001>
#map = affine_map<(d0, d1) -> (0, 0)>
module attributes {stable_mosaic.version = 14 : i64} {
  func.func @scatter_k(%arg0: i32, %arg1: i32, %arg2: memref<8192x512xf32, #tpu.memory_space<hbm>>, %arg3: memref<128x64xi32, #tpu.memory_space<hbm>>, %arg4: memref<8192x512xf32, #tpu.memory_space<hbm>>, %arg5: memref<4x64xi32, #tpu.memory_space<vmem>>, %arg6: memref<64x512xf32, #tpu.memory_space<vmem>>, %arg7: memref<64x512xf32, #tpu.memory_space<vmem>>, %arg8: memref<64x512xf32, #tpu.memory_space<vmem>>, %arg9: memref<!tpu.dma_semaphore, #tpu.memory_space<semaphore_mem>>, %arg10: memref<!tpu.dma_semaphore, #tpu.memory_space<semaphore_mem>>, %arg11: memref<!tpu.dma_semaphore, #tpu.memory_space<semaphore_mem>>, %arg12: memref<!tpu.dma_semaphore, #tpu.memory_space<semaphore_mem>>, %arg13: memref<!tpu.dma_semaphore, #tpu.memory_space<semaphore_mem>>, %arg14: memref<!tpu.dma_semaphore, #tpu.memory_space<semaphore_mem>>) attributes {dimension_semantics = [#tpu.dimension_semantics<core_parallel>, #tpu.dimension_semantics<subcore_parallel>], iteration_bounds = array<i64: 2, 16>, scalar_prefetch = 0 : i64, scratch_operands = 10 : i64, tpu.core_type = #tpu.core_type<sc_vector_subcore>, window_params = [{transform_indices = #map}, {transform_indices = #map}, {transform_indices = #map}]} {
    %mul3A = arith.constant 2 : i32
    %mul3A_0 = arith.muli %arg1, %mul3A : i32
    %add3A = arith.addi %mul3A_0, %arg0 : i32
    %mul3A_1 = arith.constant 256 : i32
    %mul3A_2 = arith.muli %add3A, %mul3A_1 : i32
    %mul3A_3 = arith.constant 4 : i32
    %mul3A_4 = arith.muli %add3A, %mul3A_3 : i32
    "tpu.region"() ({
      %run_scoped3A = tpu.sem_alloc : memref<!tpu.dma_semaphore, #tpu.memory_space<semaphore_mem>>
      %dma_start3A_99 = arith.constant 0 : i32
      %dma_start3A_100 = tpu.memref_slice %arg3[%mul3A_4, %dma_start3A_99] : memref<128x64xi32, #tpu.memory_space<hbm>> -> memref<4x64xi32, #tpu.memory_space<hbm>>
      %dma_start3A_101 = arith.constant 0 : i32
      %dma_start3A_102 = tpu.memref_slice %arg3[%mul3A_4, %dma_start3A_101] : memref<128x64xi32, #tpu.memory_space<hbm>> -> memref<4x64xi32, #tpu.memory_space<hbm>>
      tpu.enqueue_dma source(%dma_start3A_102 : memref<4x64xi32, #tpu.memory_space<hbm>>) target(%arg5 : memref<4x64xi32, #tpu.memory_space<vmem>>) target_semaphore(%run_scoped3A : memref<!tpu.dma_semaphore, #tpu.memory_space<semaphore_mem>>)
      %dma_wait3A_103 = arith.constant 0 : i32
      %dma_wait3A_104 = tpu.memref_slice %arg3[%mul3A_4, %dma_wait3A_103] : memref<128x64xi32, #tpu.memory_space<hbm>> -> memref<4x64xi32, #tpu.memory_space<hbm>>
      %dma_wait3A_105 = arith.constant 0 : i32
      %dma_wait3A_106 = tpu.memref_slice %arg3[%mul3A_4, %dma_wait3A_105] : memref<128x64xi32, #tpu.memory_space<hbm>> -> memref<4x64xi32, #tpu.memory_space<hbm>>
      tpu.wait_dma2 semaphore(%run_scoped3A : memref<!tpu.dma_semaphore, #tpu.memory_space<semaphore_mem>>) src(%dma_wait3A_106 : memref<4x64xi32, #tpu.memory_space<hbm>>) dst(%arg5 : memref<4x64xi32, #tpu.memory_space<vmem>>)
      tpu.yield
    }) : () -> ()
    %add3A_5 = arith.constant 0 : i32
    %add3A_6 = arith.addi %mul3A_2, %add3A_5 : i32
    %dma_start3A = arith.constant 0 : i32
    %dma_start3A_7 = tpu.memref_slice %arg2[%add3A_6, %dma_start3A] : memref<8192x512xf32, #tpu.memory_space<hbm>> -> memref<64x512xf32, #tpu.memory_space<hbm>>
    %dma_start3A_8 = arith.constant 0 : i32
    %dma_start3A_9 = tpu.memref_slice %arg2[%add3A_6, %dma_start3A_8] : memref<8192x512xf32, #tpu.memory_space<hbm>> -> memref<64x512xf32, #tpu.memory_space<hbm>>
    tpu.enqueue_dma source(%dma_start3A_9 : memref<64x512xf32, #tpu.memory_space<hbm>>) target(%arg6 : memref<64x512xf32, #tpu.memory_space<vmem>>) target_semaphore(%arg9 : memref<!tpu.dma_semaphore, #tpu.memory_space<semaphore_mem>>)
    %add3A_10 = arith.constant 64 : i32
    %add3A_11 = arith.addi %mul3A_2, %add3A_10 : i32
    %dma_start3A_12 = arith.constant 0 : i32
    %dma_start3A_13 = tpu.memref_slice %arg2[%add3A_11, %dma_start3A_12] : memref<8192x512xf32, #tpu.memory_space<hbm>> -> memref<64x512xf32, #tpu.memory_space<hbm>>
    %dma_start3A_14 = arith.constant 0 : i32
    %dma_start3A_15 = tpu.memref_slice %arg2[%add3A_11, %dma_start3A_14] : memref<8192x512xf32, #tpu.memory_space<hbm>> -> memref<64x512xf32, #tpu.memory_space<hbm>>
    tpu.enqueue_dma source(%dma_start3A_15 : memref<64x512xf32, #tpu.memory_space<hbm>>) target(%arg7 : memref<64x512xf32, #tpu.memory_space<vmem>>) target_semaphore(%arg10 : memref<!tpu.dma_semaphore, #tpu.memory_space<semaphore_mem>>)
    %dma_wait3A = arith.constant 0 : i32
    %dma_wait3A_16 = tpu.memref_slice %arg2[%add3A_6, %dma_wait3A] : memref<8192x512xf32, #tpu.memory_space<hbm>> -> memref<64x512xf32, #tpu.memory_space<hbm>>
    %dma_wait3A_17 = arith.constant 0 : i32
    %dma_wait3A_18 = tpu.memref_slice %arg2[%add3A_6, %dma_wait3A_17] : memref<8192x512xf32, #tpu.memory_space<hbm>> -> memref<64x512xf32, #tpu.memory_space<hbm>>
    tpu.wait_dma2 semaphore(%arg9 : memref<!tpu.dma_semaphore, #tpu.memory_space<semaphore_mem>>) src(%dma_wait3A_18 : memref<64x512xf32, #tpu.memory_space<hbm>>) dst(%arg6 : memref<64x512xf32, #tpu.memory_space<vmem>>)
    %dma_start3A_19 = arith.constant 0 : i32
    %dma_start3A_20 = arith.constant 0 : i32
    %dma_start3A_21 = tpu.memref_slice %arg5[%dma_start3A_19, %dma_start3A_20] : memref<4x64xi32, #tpu.memory_space<vmem>> -> memref<1x64xi32, #tpu.memory_space<vmem>>
    %dma_start3A_22 = tpu.memref_squeeze %dma_start3A_21 : memref<1x64xi32, #tpu.memory_space<vmem>> -> memref<64xi32, #tpu.memory_space<vmem>>
    %dma_start3A_23 = arith.constant 0 : i32
    %dma_start3A_24 = arith.constant 0 : i32
    %dma_start3A_25 = tpu.memref_slice %arg4[%dma_start3A_23, %dma_start3A_24] : memref<8192x512xf32, #tpu.memory_space<hbm>> -> memref<8192x512xf32, #tpu.memory_space<hbm>>
    tpu.enqueue_indirect_dma source(%arg6 : memref<64x512xf32, #tpu.memory_space<vmem>>) target(%dma_start3A_25 : memref<8192x512xf32, #tpu.memory_space<hbm>>) offsets(%dma_start3A_22 : memref<64xi32, #tpu.memory_space<vmem>>) semaphore(%arg12 : memref<!tpu.dma_semaphore, #tpu.memory_space<semaphore_mem>>)
    %add3A_26 = arith.constant 128 : i32
    %add3A_27 = arith.addi %mul3A_2, %add3A_26 : i32
    %dma_start3A_28 = arith.constant 0 : i32
    %dma_start3A_29 = tpu.memref_slice %arg2[%add3A_27, %dma_start3A_28] : memref<8192x512xf32, #tpu.memory_space<hbm>> -> memref<64x512xf32, #tpu.memory_space<hbm>>
    %dma_start3A_30 = arith.constant 0 : i32
    %dma_start3A_31 = tpu.memref_slice %arg2[%add3A_27, %dma_start3A_30] : memref<8192x512xf32, #tpu.memory_space<hbm>> -> memref<64x512xf32, #tpu.memory_space<hbm>>
    tpu.enqueue_dma source(%dma_start3A_31 : memref<64x512xf32, #tpu.memory_space<hbm>>) target(%arg8 : memref<64x512xf32, #tpu.memory_space<vmem>>) target_semaphore(%arg11 : memref<!tpu.dma_semaphore, #tpu.memory_space<semaphore_mem>>)
    %dma_wait3A_32 = arith.constant 0 : i32
    %dma_wait3A_33 = tpu.memref_slice %arg2[%add3A_11, %dma_wait3A_32] : memref<8192x512xf32, #tpu.memory_space<hbm>> -> memref<64x512xf32, #tpu.memory_space<hbm>>
    %dma_wait3A_34 = arith.constant 0 : i32
    %dma_wait3A_35 = tpu.memref_slice %arg2[%add3A_11, %dma_wait3A_34] : memref<8192x512xf32, #tpu.memory_space<hbm>> -> memref<64x512xf32, #tpu.memory_space<hbm>>
    tpu.wait_dma2 semaphore(%arg10 : memref<!tpu.dma_semaphore, #tpu.memory_space<semaphore_mem>>) src(%dma_wait3A_35 : memref<64x512xf32, #tpu.memory_space<hbm>>) dst(%arg7 : memref<64x512xf32, #tpu.memory_space<vmem>>)
    %dma_start3A_36 = arith.constant 1 : i32
    %dma_start3A_37 = arith.constant 0 : i32
    %dma_start3A_38 = tpu.memref_slice %arg5[%dma_start3A_36, %dma_start3A_37] : memref<4x64xi32, #tpu.memory_space<vmem>> -> memref<1x64xi32, #tpu.memory_space<vmem>>
    %dma_start3A_39 = tpu.memref_squeeze %dma_start3A_38 : memref<1x64xi32, #tpu.memory_space<vmem>> -> memref<64xi32, #tpu.memory_space<vmem>>
    %dma_start3A_40 = arith.constant 0 : i32
    %dma_start3A_41 = arith.constant 0 : i32
    %dma_start3A_42 = tpu.memref_slice %arg4[%dma_start3A_40, %dma_start3A_41] : memref<8192x512xf32, #tpu.memory_space<hbm>> -> memref<8192x512xf32, #tpu.memory_space<hbm>>
    tpu.enqueue_indirect_dma source(%arg7 : memref<64x512xf32, #tpu.memory_space<vmem>>) target(%dma_start3A_42 : memref<8192x512xf32, #tpu.memory_space<hbm>>) offsets(%dma_start3A_39 : memref<64xi32, #tpu.memory_space<vmem>>) semaphore(%arg13 : memref<!tpu.dma_semaphore, #tpu.memory_space<semaphore_mem>>)
    %dma_wait3A_43 = arith.constant 0 : i32
    %dma_wait3A_44 = arith.constant 0 : i32
    %dma_wait3A_45 = tpu.memref_slice %arg5[%dma_wait3A_43, %dma_wait3A_44] : memref<4x64xi32, #tpu.memory_space<vmem>> -> memref<1x64xi32, #tpu.memory_space<vmem>>
    %dma_wait3A_46 = tpu.memref_squeeze %dma_wait3A_45 : memref<1x64xi32, #tpu.memory_space<vmem>> -> memref<64xi32, #tpu.memory_space<vmem>>
    %dma_wait3A_47 = arith.constant 0 : i32
    %dma_wait3A_48 = arith.constant 0 : i32
    %dma_wait3A_49 = tpu.memref_slice %arg4[%dma_wait3A_47, %dma_wait3A_48] : memref<8192x512xf32, #tpu.memory_space<hbm>> -> memref<8192x512xf32, #tpu.memory_space<hbm>>
    tpu.wait_indirect_dma semaphore(%arg12 : memref<!tpu.dma_semaphore, #tpu.memory_space<semaphore_mem>>) src(%arg6 : memref<64x512xf32, #tpu.memory_space<vmem>>) dst(%dma_wait3A_49 : memref<8192x512xf32, #tpu.memory_space<hbm>>)
    %add3A_50 = arith.constant 192 : i32
    %add3A_51 = arith.addi %mul3A_2, %add3A_50 : i32
    %dma_start3A_52 = arith.constant 0 : i32
    %dma_start3A_53 = tpu.memref_slice %arg2[%add3A_51, %dma_start3A_52] : memref<8192x512xf32, #tpu.memory_space<hbm>> -> memref<64x512xf32, #tpu.memory_space<hbm>>
    %dma_start3A_54 = arith.constant 0 : i32
    %dma_start3A_55 = tpu.memref_slice %arg2[%add3A_51, %dma_start3A_54] : memref<8192x512xf32, #tpu.memory_space<hbm>> -> memref<64x512xf32, #tpu.memory_space<hbm>>
    tpu.enqueue_dma source(%dma_start3A_55 : memref<64x512xf32, #tpu.memory_space<hbm>>) target(%arg6 : memref<64x512xf32, #tpu.memory_space<vmem>>) target_semaphore(%arg9 : memref<!tpu.dma_semaphore, #tpu.memory_space<semaphore_mem>>)
    %dma_wait3A_56 = arith.constant 0 : i32
    %dma_wait3A_57 = tpu.memref_slice %arg2[%add3A_27, %dma_wait3A_56] : memref<8192x512xf32, #tpu.memory_space<hbm>> -> memref<64x512xf32, #tpu.memory_space<hbm>>
    %dma_wait3A_58 = arith.constant 0 : i32
    %dma_wait3A_59 = tpu.memref_slice %arg2[%add3A_27, %dma_wait3A_58] : memref<8192x512xf32, #tpu.memory_space<hbm>> -> memref<64x512xf32, #tpu.memory_space<hbm>>
    tpu.wait_dma2 semaphore(%arg11 : memref<!tpu.dma_semaphore, #tpu.memory_space<semaphore_mem>>) src(%dma_wait3A_59 : memref<64x512xf32, #tpu.memory_space<hbm>>) dst(%arg8 : memref<64x512xf32, #tpu.memory_space<vmem>>)
    %dma_start3A_60 = arith.constant 2 : i32
    %dma_start3A_61 = arith.constant 0 : i32
    %dma_start3A_62 = tpu.memref_slice %arg5[%dma_start3A_60, %dma_start3A_61] : memref<4x64xi32, #tpu.memory_space<vmem>> -> memref<1x64xi32, #tpu.memory_space<vmem>>
    %dma_start3A_63 = tpu.memref_squeeze %dma_start3A_62 : memref<1x64xi32, #tpu.memory_space<vmem>> -> memref<64xi32, #tpu.memory_space<vmem>>
    %dma_start3A_64 = arith.constant 0 : i32
    %dma_start3A_65 = arith.constant 0 : i32
    %dma_start3A_66 = tpu.memref_slice %arg4[%dma_start3A_64, %dma_start3A_65] : memref<8192x512xf32, #tpu.memory_space<hbm>> -> memref<8192x512xf32, #tpu.memory_space<hbm>>
    tpu.enqueue_indirect_dma source(%arg8 : memref<64x512xf32, #tpu.memory_space<vmem>>) target(%dma_start3A_66 : memref<8192x512xf32, #tpu.memory_space<hbm>>) offsets(%dma_start3A_63 : memref<64xi32, #tpu.memory_space<vmem>>) semaphore(%arg14 : memref<!tpu.dma_semaphore, #tpu.memory_space<semaphore_mem>>)
    %dma_wait3A_67 = arith.constant 0 : i32
    %dma_wait3A_68 = tpu.memref_slice %arg2[%add3A_51, %dma_wait3A_67] : memref<8192x512xf32, #tpu.memory_space<hbm>> -> memref<64x512xf32, #tpu.memory_space<hbm>>
    %dma_wait3A_69 = arith.constant 0 : i32
    %dma_wait3A_70 = tpu.memref_slice %arg2[%add3A_51, %dma_wait3A_69] : memref<8192x512xf32, #tpu.memory_space<hbm>> -> memref<64x512xf32, #tpu.memory_space<hbm>>
    tpu.wait_dma2 semaphore(%arg9 : memref<!tpu.dma_semaphore, #tpu.memory_space<semaphore_mem>>) src(%dma_wait3A_70 : memref<64x512xf32, #tpu.memory_space<hbm>>) dst(%arg6 : memref<64x512xf32, #tpu.memory_space<vmem>>)
    %dma_start3A_71 = arith.constant 3 : i32
    %dma_start3A_72 = arith.constant 0 : i32
    %dma_start3A_73 = tpu.memref_slice %arg5[%dma_start3A_71, %dma_start3A_72] : memref<4x64xi32, #tpu.memory_space<vmem>> -> memref<1x64xi32, #tpu.memory_space<vmem>>
    %dma_start3A_74 = tpu.memref_squeeze %dma_start3A_73 : memref<1x64xi32, #tpu.memory_space<vmem>> -> memref<64xi32, #tpu.memory_space<vmem>>
    %dma_start3A_75 = arith.constant 0 : i32
    %dma_start3A_76 = arith.constant 0 : i32
    %dma_start3A_77 = tpu.memref_slice %arg4[%dma_start3A_75, %dma_start3A_76] : memref<8192x512xf32, #tpu.memory_space<hbm>> -> memref<8192x512xf32, #tpu.memory_space<hbm>>
    tpu.enqueue_indirect_dma source(%arg6 : memref<64x512xf32, #tpu.memory_space<vmem>>) target(%dma_start3A_77 : memref<8192x512xf32, #tpu.memory_space<hbm>>) offsets(%dma_start3A_74 : memref<64xi32, #tpu.memory_space<vmem>>) semaphore(%arg12 : memref<!tpu.dma_semaphore, #tpu.memory_space<semaphore_mem>>)
    %dma_wait3A_78 = arith.constant 1 : i32
    %dma_wait3A_79 = arith.constant 0 : i32
    %dma_wait3A_80 = tpu.memref_slice %arg5[%dma_wait3A_78, %dma_wait3A_79] : memref<4x64xi32, #tpu.memory_space<vmem>> -> memref<1x64xi32, #tpu.memory_space<vmem>>
    %dma_wait3A_81 = tpu.memref_squeeze %dma_wait3A_80 : memref<1x64xi32, #tpu.memory_space<vmem>> -> memref<64xi32, #tpu.memory_space<vmem>>
    %dma_wait3A_82 = arith.constant 0 : i32
    %dma_wait3A_83 = arith.constant 0 : i32
    %dma_wait3A_84 = tpu.memref_slice %arg4[%dma_wait3A_82, %dma_wait3A_83] : memref<8192x512xf32, #tpu.memory_space<hbm>> -> memref<8192x512xf32, #tpu.memory_space<hbm>>
    tpu.wait_indirect_dma semaphore(%arg13 : memref<!tpu.dma_semaphore, #tpu.memory_space<semaphore_mem>>) src(%arg7 : memref<64x512xf32, #tpu.memory_space<vmem>>) dst(%dma_wait3A_84 : memref<8192x512xf32, #tpu.memory_space<hbm>>)
    %dma_wait3A_85 = arith.constant 2 : i32
    %dma_wait3A_86 = arith.constant 0 : i32
    %dma_wait3A_87 = tpu.memref_slice %arg5[%dma_wait3A_85, %dma_wait3A_86] : memref<4x64xi32, #tpu.memory_space<vmem>> -> memref<1x64xi32, #tpu.memory_space<vmem>>
    %dma_wait3A_88 = tpu.memref_squeeze %dma_wait3A_87 : memref<1x64xi32, #tpu.memory_space<vmem>> -> memref<64xi32, #tpu.memory_space<vmem>>
    %dma_wait3A_89 = arith.constant 0 : i32
    %dma_wait3A_90 = arith.constant 0 : i32
    %dma_wait3A_91 = tpu.memref_slice %arg4[%dma_wait3A_89, %dma_wait3A_90] : memref<8192x512xf32, #tpu.memory_space<hbm>> -> memref<8192x512xf32, #tpu.memory_space<hbm>>
    tpu.wait_indirect_dma semaphore(%arg14 : memref<!tpu.dma_semaphore, #tpu.memory_space<semaphore_mem>>) src(%arg8 : memref<64x512xf32, #tpu.memory_space<vmem>>) dst(%dma_wait3A_91 : memref<8192x512xf32, #tpu.memory_space<hbm>>)
    %dma_wait3A_92 = arith.constant 3 : i32
    %dma_wait3A_93 = arith.constant 0 : i32
    %dma_wait3A_94 = tpu.memref_slice %arg5[%dma_wait3A_92, %dma_wait3A_93] : memref<4x64xi32, #tpu.memory_space<vmem>> -> memref<1x64xi32, #tpu.memory_space<vmem>>
    %dma_wait3A_95 = tpu.memref_squeeze %dma_wait3A_94 : memref<1x64xi32, #tpu.memory_space<vmem>> -> memref<64xi32, #tpu.memory_space<vmem>>
    %dma_wait3A_96 = arith.constant 0 : i32
    %dma_wait3A_97 = arith.constant 0 : i32
    %dma_wait3A_98 = tpu.memref_slice %arg4[%dma_wait3A_96, %dma_wait3A_97] : memref<8192x512xf32, #tpu.memory_space<hbm>> -> memref<8192x512xf32, #tpu.memory_space<hbm>>
    tpu.wait_indirect_dma semaphore(%arg12 : memref<!tpu.dma_semaphore, #tpu.memory_space<semaphore_mem>>) src(%arg6 : memref<64x512xf32, #tpu.memory_space<vmem>>) dst(%dma_wait3A_98 : memref<8192x512xf32, #tpu.memory_space<hbm>>)
    return
  }
}

module attributes {stable_mosaic.version = 14 : i64} {
  func.func @_tail_body(%arg0: i32, %arg1: memref<1024x1024xf32, #tpu.memory_space<vmem>>, %arg2: memref<1024x512xf32, #tpu.memory_space<vmem>>, %arg3: memref<512x1024xf32, #tpu.memory_space<vmem>>, %arg4: memref<1x1024xf32, #tpu.memory_space<vmem>>, %arg5: memref<512x1024xf32, #tpu.memory_space<vmem>>, %arg6: memref<1x1024xf32, #tpu.memory_space<vmem>>, %arg7: memref<1024x512xf32, #tpu.memory_space<vmem>>, %arg8: memref<1x512xf32, #tpu.memory_space<vmem>>, %arg9: memref<1x512xf32, #tpu.memory_space<vmem>>, %arg10: memref<1x512xf32, #tpu.memory_space<vmem>>, %arg11: memref<512x2048xf32, #tpu.memory_space<vmem>>, %arg12: memref<1x2048xf32, #tpu.memory_space<vmem>>, %arg13: memref<2048x512xf32, #tpu.memory_space<vmem>>, %arg14: memref<1x512xf32, #tpu.memory_space<vmem>>, %arg15: memref<1x512xf32, #tpu.memory_space<vmem>>, %arg16: memref<1x512xf32, #tpu.memory_space<vmem>>, %arg17: memref<1024x1024xf32, #tpu.memory_space<vmem>>) attributes {dimension_semantics = [#tpu.dimension_semantics<arbitrary>], iteration_bounds = array<i64: 8>, scalar_prefetch = 0 : i64, scratch_operands = 0 : i64, tpu.core_type = #tpu.core_type<tc>, window_params = [{transform_indices = @transform_0, window_bounds = array<i64: 1024, 1024>}, {transform_indices = @transform_1, window_bounds = array<i64: 1024, 512>}, {pipeline_mode = #tpu.pipeline_mode<synchronous>, transform_indices = @transform_2, window_bounds = array<i64: 512, 1024>}, {pipeline_mode = #tpu.pipeline_mode<synchronous>, transform_indices = @transform_3, window_bounds = array<i64: 1, 1024>}, {pipeline_mode = #tpu.pipeline_mode<synchronous>, transform_indices = @transform_4, window_bounds = array<i64: 512, 1024>}, {pipeline_mode = #tpu.pipeline_mode<synchronous>, transform_indices = @transform_5, window_bounds = array<i64: 1, 1024>}, {pipeline_mode = #tpu.pipeline_mode<synchronous>, transform_indices = @transform_6, window_bounds = array<i64: 1024, 512>}, {pipeline_mode = #tpu.pipeline_mode<synchronous>, transform_indices = @transform_7, window_bounds = array<i64: 1, 512>}, {pipeline_mode = #tpu.pipeline_mode<synchronous>, transform_indices = @transform_8, window_bounds = array<i64: 1, 512>}, {pipeline_mode = #tpu.pipeline_mode<synchronous>, transform_indices = @transform_9, window_bounds = array<i64: 1, 512>}, {pipeline_mode = #tpu.pipeline_mode<synchronous>, transform_indices = @transform_10, window_bounds = array<i64: 512, 2048>}, {pipeline_mode = #tpu.pipeline_mode<synchronous>, transform_indices = @transform_11, window_bounds = array<i64: 1, 2048>}, {pipeline_mode = #tpu.pipeline_mode<synchronous>, transform_indices = @transform_12, window_bounds = array<i64: 2048, 512>}, {pipeline_mode = #tpu.pipeline_mode<synchronous>, transform_indices = @transform_13, window_bounds = array<i64: 1, 512>}, {pipeline_mode = #tpu.pipeline_mode<synchronous>, transform_indices = @transform_14, window_bounds = array<i64: 1, 512>}, {pipeline_mode = #tpu.pipeline_mode<synchronous>, transform_indices = @transform_15, window_bounds = array<i64: 1, 512>}, {transform_indices = @transform_16, window_bounds = array<i64: 1024, 1024>}]} {
    %get3A = arith.constant 0 : index
    %get3A_0 = arith.constant 0 : index
    %get3A_1 = vector.load %arg2[%get3A, %get3A_0] : memref<1024x512xf32, #tpu.memory_space<vmem>>, vector<1024x512xf32>
    %get3A_2 = arith.constant 0 : index
    %get3A_3 = arith.constant 0 : index
    %get3A_4 = vector.load %arg3[%get3A_2, %get3A_3] : memref<512x1024xf32, #tpu.memory_space<vmem>>, vector<512x1024xf32>
    %dot_general3A = arith.constant dense<0.000000e+00> : vector<1024x1024xf32>
    %dot_general3A_5 = tpu.matmul %get3A_1, %get3A_4, %dot_general3A {dimension_numbers = #tpu.dot_dimension_numbers<[1], [0], [0], [1], [0, 0, 1, 1], [], []>, transpose_lhs_hint = false} : vector<1024x512xf32>, vector<512x1024xf32>, vector<1024x1024xf32> -> vector<1024x1024xf32>
    %get3A_6 = arith.constant 0 : index
    %get3A_7 = arith.constant 0 : index
    %get3A_8 = vector.load %arg4[%get3A_6, %get3A_7] : memref<1x1024xf32, #tpu.memory_space<vmem>>, vector<1x1024xf32>
    %add3A = vector.broadcast %get3A_8 : vector<1x1024xf32> to vector<1024x1024xf32>
    %add3A_9 = arith.addf %dot_general3A_5, %add3A : vector<1024x1024xf32>
    %get3A_10 = arith.constant 0 : index
    %get3A_11 = arith.constant 0 : index
    %get3A_12 = vector.load %arg5[%get3A_10, %get3A_11] : memref<512x1024xf32, #tpu.memory_space<vmem>>, vector<512x1024xf32>
    %dot_general3A_13 = arith.constant dense<0.000000e+00> : vector<1024x1024xf32>
    %dot_general3A_14 = tpu.matmul %get3A_1, %get3A_12, %dot_general3A_13 {dimension_numbers = #tpu.dot_dimension_numbers<[1], [0], [0], [1], [0, 0, 1, 1], [], []>, transpose_lhs_hint = false} : vector<1024x512xf32>, vector<512x1024xf32>, vector<1024x1024xf32> -> vector<1024x1024xf32>
    %get3A_15 = arith.constant 0 : index
    %get3A_16 = arith.constant 0 : index
    %get3A_17 = vector.load %arg6[%get3A_15, %get3A_16] : memref<1x1024xf32, #tpu.memory_space<vmem>>, vector<1x1024xf32>
    %add3A_18 = vector.broadcast %get3A_17 : vector<1x1024xf32> to vector<1024x1024xf32>
    %add3A_19 = arith.addf %dot_general3A_14, %add3A_18 : vector<1024x1024xf32>
    %iota3A = tpu.iota {dimensions = array<i32: 0>} : vector<128x128xi32>
    %iota3A_20 = tpu.iota {dimensions = array<i32: 1>} : vector<128x128xi32>
    %slice3A = vector.extract_strided_slice %add3A_9 {offsets = [0, 0], sizes = [128, 1024], strides = [1, 1]} : vector<1024x1024xf32> to vector<128x1024xf32>
    %slice3A_21 = vector.extract_strided_slice %add3A_19 {offsets = [0, 0], sizes = [128, 1024], strides = [1, 1]} : vector<1024x1024xf32> to vector<128x1024xf32>
    %dot_general3A_22 = arith.constant dense<0.000000e+00> : vector<128x128xf32>
    %dot_general3A_23 = tpu.matmul %slice3A, %slice3A, %dot_general3A_22 {dimension_numbers = #tpu.dot_dimension_numbers<[1], [1], [0], [0], [0, 0, 1, 0], [], []>, transpose_lhs_hint = false} : vector<128x1024xf32>, vector<128x1024xf32>, vector<128x128xf32> -> vector<128x128xf32>
    %mul3A = arith.constant 1.250000e-01 : f32
    %mul3A_24 = vector.broadcast %mul3A : f32 to vector<128x128xf32>
    %mul3A_25 = arith.mulf %dot_general3A_23, %mul3A_24 : vector<128x128xf32>
    %eq3A = arith.cmpi eq, %iota3A, %iota3A_20 : vector<128x128xi32>
    %div3A = arith.constant 1.000000e+05 : f32
    %div3A_26 = vector.broadcast %div3A : f32 to vector<128x128xf32>
    %div3A_27 = arith.divf %mul3A_25, %div3A_26 : vector<128x128xf32>
    %select_n3A = arith.select %eq3A, %div3A_27, %mul3A_25 : vector<128x128xi1>, vector<128x128xf32>
    %dot_general3A_28 = arith.constant dense<0.000000e+00> : vector<128x1024xf32>
    %dot_general3A_29 = tpu.matmul %select_n3A, %slice3A_21, %dot_general3A_28 {dimension_numbers = #tpu.dot_dimension_numbers<[1], [0], [0], [1], [0, 0, 1, 1], [], []>, transpose_lhs_hint = false} : vector<128x128xf32>, vector<128x1024xf32>, vector<128x1024xf32> -> vector<128x1024xf32>
    %slice3A_30 = vector.extract_strided_slice %add3A_9 {offsets = [128, 0], sizes = [128, 1024], strides = [1, 1]} : vector<1024x1024xf32> to vector<128x1024xf32>
    %slice3A_31 = vector.extract_strided_slice %add3A_19 {offsets = [128, 0], sizes = [128, 1024], strides = [1, 1]} : vector<1024x1024xf32> to vector<128x1024xf32>
    %dot_general3A_32 = arith.constant dense<0.000000e+00> : vector<128x128xf32>
    %dot_general3A_33 = tpu.matmul %slice3A_30, %slice3A_30, %dot_general3A_32 {dimension_numbers = #tpu.dot_dimension_numbers<[1], [1], [0], [0], [0, 0, 1, 0], [], []>, transpose_lhs_hint = false} : vector<128x1024xf32>, vector<128x1024xf32>, vector<128x128xf32> -> vector<128x128xf32>
    %mul3A_34 = arith.constant 1.250000e-01 : f32
    %mul3A_35 = vector.broadcast %mul3A_34 : f32 to vector<128x128xf32>
    %mul3A_36 = arith.mulf %dot_general3A_33, %mul3A_35 : vector<128x128xf32>
    %eq3A_37 = arith.cmpi eq, %iota3A, %iota3A_20 : vector<128x128xi32>
    %div3A_38 = arith.constant 1.000000e+05 : f32
    %div3A_39 = vector.broadcast %div3A_38 : f32 to vector<128x128xf32>
    %div3A_40 = arith.divf %mul3A_36, %div3A_39 : vector<128x128xf32>
    %select_n3A_41 = arith.select %eq3A_37, %div3A_40, %mul3A_36 : vector<128x128xi1>, vector<128x128xf32>
    %dot_general3A_42 = arith.constant dense<0.000000e+00> : vector<128x1024xf32>
    %dot_general3A_43 = tpu.matmul %select_n3A_41, %slice3A_31, %dot_general3A_42 {dimension_numbers = #tpu.dot_dimension_numbers<[1], [0], [0], [1], [0, 0, 1, 1], [], []>, transpose_lhs_hint = false} : vector<128x128xf32>, vector<128x1024xf32>, vector<128x1024xf32> -> vector<128x1024xf32>
    %slice3A_44 = vector.extract_strided_slice %add3A_9 {offsets = [256, 0], sizes = [128, 1024], strides = [1, 1]} : vector<1024x1024xf32> to vector<128x1024xf32>
    %slice3A_45 = vector.extract_strided_slice %add3A_19 {offsets = [256, 0], sizes = [128, 1024], strides = [1, 1]} : vector<1024x1024xf32> to vector<128x1024xf32>
    %dot_general3A_46 = arith.constant dense<0.000000e+00> : vector<128x128xf32>
    %dot_general3A_47 = tpu.matmul %slice3A_44, %slice3A_44, %dot_general3A_46 {dimension_numbers = #tpu.dot_dimension_numbers<[1], [1], [0], [0], [0, 0, 1, 0], [], []>, transpose_lhs_hint = false} : vector<128x1024xf32>, vector<128x1024xf32>, vector<128x128xf32> -> vector<128x128xf32>
    %mul3A_48 = arith.constant 1.250000e-01 : f32
    %mul3A_49 = vector.broadcast %mul3A_48 : f32 to vector<128x128xf32>
    %mul3A_50 = arith.mulf %dot_general3A_47, %mul3A_49 : vector<128x128xf32>
    %eq3A_51 = arith.cmpi eq, %iota3A, %iota3A_20 : vector<128x128xi32>
    %div3A_52 = arith.constant 1.000000e+05 : f32
    %div3A_53 = vector.broadcast %div3A_52 : f32 to vector<128x128xf32>
    %div3A_54 = arith.divf %mul3A_50, %div3A_53 : vector<128x128xf32>
    %select_n3A_55 = arith.select %eq3A_51, %div3A_54, %mul3A_50 : vector<128x128xi1>, vector<128x128xf32>
    %dot_general3A_56 = arith.constant dense<0.000000e+00> : vector<128x1024xf32>
    %dot_general3A_57 = tpu.matmul %select_n3A_55, %slice3A_45, %dot_general3A_56 {dimension_numbers = #tpu.dot_dimension_numbers<[1], [0], [0], [1], [0, 0, 1, 1], [], []>, transpose_lhs_hint = false} : vector<128x128xf32>, vector<128x1024xf32>, vector<128x1024xf32> -> vector<128x1024xf32>
    %slice3A_58 = vector.extract_strided_slice %add3A_9 {offsets = [384, 0], sizes = [128, 1024], strides = [1, 1]} : vector<1024x1024xf32> to vector<128x1024xf32>
    %slice3A_59 = vector.extract_strided_slice %add3A_19 {offsets = [384, 0], sizes = [128, 1024], strides = [1, 1]} : vector<1024x1024xf32> to vector<128x1024xf32>
    %dot_general3A_60 = arith.constant dense<0.000000e+00> : vector<128x128xf32>
    %dot_general3A_61 = tpu.matmul %slice3A_58, %slice3A_58, %dot_general3A_60 {dimension_numbers = #tpu.dot_dimension_numbers<[1], [1], [0], [0], [0, 0, 1, 0], [], []>, transpose_lhs_hint = false} : vector<128x1024xf32>, vector<128x1024xf32>, vector<128x128xf32> -> vector<128x128xf32>
    %mul3A_62 = arith.constant 1.250000e-01 : f32
    %mul3A_63 = vector.broadcast %mul3A_62 : f32 to vector<128x128xf32>
    %mul3A_64 = arith.mulf %dot_general3A_61, %mul3A_63 : vector<128x128xf32>
    %eq3A_65 = arith.cmpi eq, %iota3A, %iota3A_20 : vector<128x128xi32>
    %div3A_66 = arith.constant 1.000000e+05 : f32
    %div3A_67 = vector.broadcast %div3A_66 : f32 to vector<128x128xf32>
    %div3A_68 = arith.divf %mul3A_64, %div3A_67 : vector<128x128xf32>
    %select_n3A_69 = arith.select %eq3A_65, %div3A_68, %mul3A_64 : vector<128x128xi1>, vector<128x128xf32>
    %dot_general3A_70 = arith.constant dense<0.000000e+00> : vector<128x1024xf32>
    %dot_general3A_71 = tpu.matmul %select_n3A_69, %slice3A_59, %dot_general3A_70 {dimension_numbers = #tpu.dot_dimension_numbers<[1], [0], [0], [1], [0, 0, 1, 1], [], []>, transpose_lhs_hint = false} : vector<128x128xf32>, vector<128x1024xf32>, vector<128x1024xf32> -> vector<128x1024xf32>
    %slice3A_72 = vector.extract_strided_slice %add3A_9 {offsets = [512, 0], sizes = [128, 1024], strides = [1, 1]} : vector<1024x1024xf32> to vector<128x1024xf32>
    %slice3A_73 = vector.extract_strided_slice %add3A_19 {offsets = [512, 0], sizes = [128, 1024], strides = [1, 1]} : vector<1024x1024xf32> to vector<128x1024xf32>
    %dot_general3A_74 = arith.constant dense<0.000000e+00> : vector<128x128xf32>
    %dot_general3A_75 = tpu.matmul %slice3A_72, %slice3A_72, %dot_general3A_74 {dimension_numbers = #tpu.dot_dimension_numbers<[1], [1], [0], [0], [0, 0, 1, 0], [], []>, transpose_lhs_hint = false} : vector<128x1024xf32>, vector<128x1024xf32>, vector<128x128xf32> -> vector<128x128xf32>
    %mul3A_76 = arith.constant 1.250000e-01 : f32
    %mul3A_77 = vector.broadcast %mul3A_76 : f32 to vector<128x128xf32>
    %mul3A_78 = arith.mulf %dot_general3A_75, %mul3A_77 : vector<128x128xf32>
    %eq3A_79 = arith.cmpi eq, %iota3A, %iota3A_20 : vector<128x128xi32>
    %div3A_80 = arith.constant 1.000000e+05 : f32
    %div3A_81 = vector.broadcast %div3A_80 : f32 to vector<128x128xf32>
    %div3A_82 = arith.divf %mul3A_78, %div3A_81 : vector<128x128xf32>
    %select_n3A_83 = arith.select %eq3A_79, %div3A_82, %mul3A_78 : vector<128x128xi1>, vector<128x128xf32>
    %dot_general3A_84 = arith.constant dense<0.000000e+00> : vector<128x1024xf32>
    %dot_general3A_85 = tpu.matmul %select_n3A_83, %slice3A_73, %dot_general3A_84 {dimension_numbers = #tpu.dot_dimension_numbers<[1], [0], [0], [1], [0, 0, 1, 1], [], []>, transpose_lhs_hint = false} : vector<128x128xf32>, vector<128x1024xf32>, vector<128x1024xf32> -> vector<128x1024xf32>
    %slice3A_86 = vector.extract_strided_slice %add3A_9 {offsets = [640, 0], sizes = [128, 1024], strides = [1, 1]} : vector<1024x1024xf32> to vector<128x1024xf32>
    %slice3A_87 = vector.extract_strided_slice %add3A_19 {offsets = [640, 0], sizes = [128, 1024], strides = [1, 1]} : vector<1024x1024xf32> to vector<128x1024xf32>
    %dot_general3A_88 = arith.constant dense<0.000000e+00> : vector<128x128xf32>
    %dot_general3A_89 = tpu.matmul %slice3A_86, %slice3A_86, %dot_general3A_88 {dimension_numbers = #tpu.dot_dimension_numbers<[1], [1], [0], [0], [0, 0, 1, 0], [], []>, transpose_lhs_hint = false} : vector<128x1024xf32>, vector<128x1024xf32>, vector<128x128xf32> -> vector<128x128xf32>
    %mul3A_90 = arith.constant 1.250000e-01 : f32
    %mul3A_91 = vector.broadcast %mul3A_90 : f32 to vector<128x128xf32>
    %mul3A_92 = arith.mulf %dot_general3A_89, %mul3A_91 : vector<128x128xf32>
    %eq3A_93 = arith.cmpi eq, %iota3A, %iota3A_20 : vector<128x128xi32>
    %div3A_94 = arith.constant 1.000000e+05 : f32
    %div3A_95 = vector.broadcast %div3A_94 : f32 to vector<128x128xf32>
    %div3A_96 = arith.divf %mul3A_92, %div3A_95 : vector<128x128xf32>
    %select_n3A_97 = arith.select %eq3A_93, %div3A_96, %mul3A_92 : vector<128x128xi1>, vector<128x128xf32>
    %dot_general3A_98 = arith.constant dense<0.000000e+00> : vector<128x1024xf32>
    %dot_general3A_99 = tpu.matmul %select_n3A_97, %slice3A_87, %dot_general3A_98 {dimension_numbers = #tpu.dot_dimension_numbers<[1], [0], [0], [1], [0, 0, 1, 1], [], []>, transpose_lhs_hint = false} : vector<128x128xf32>, vector<128x1024xf32>, vector<128x1024xf32> -> vector<128x1024xf32>
    %slice3A_100 = vector.extract_strided_slice %add3A_9 {offsets = [768, 0], sizes = [128, 1024], strides = [1, 1]} : vector<1024x1024xf32> to vector<128x1024xf32>
    %slice3A_101 = vector.extract_strided_slice %add3A_19 {offsets = [768, 0], sizes = [128, 1024], strides = [1, 1]} : vector<1024x1024xf32> to vector<128x1024xf32>
    %dot_general3A_102 = arith.constant dense<0.000000e+00> : vector<128x128xf32>
    %dot_general3A_103 = tpu.matmul %slice3A_100, %slice3A_100, %dot_general3A_102 {dimension_numbers = #tpu.dot_dimension_numbers<[1], [1], [0], [0], [0, 0, 1, 0], [], []>, transpose_lhs_hint = false} : vector<128x1024xf32>, vector<128x1024xf32>, vector<128x128xf32> -> vector<128x128xf32>
    %mul3A_104 = arith.constant 1.250000e-01 : f32
    %mul3A_105 = vector.broadcast %mul3A_104 : f32 to vector<128x128xf32>
    %mul3A_106 = arith.mulf %dot_general3A_103, %mul3A_105 : vector<128x128xf32>
    %eq3A_107 = arith.cmpi eq, %iota3A, %iota3A_20 : vector<128x128xi32>
    %div3A_108 = arith.constant 1.000000e+05 : f32
    %div3A_109 = vector.broadcast %div3A_108 : f32 to vector<128x128xf32>
    %div3A_110 = arith.divf %mul3A_106, %div3A_109 : vector<128x128xf32>
    %select_n3A_111 = arith.select %eq3A_107, %div3A_110, %mul3A_106 : vector<128x128xi1>, vector<128x128xf32>
    %dot_general3A_112 = arith.constant dense<0.000000e+00> : vector<128x1024xf32>
    %dot_general3A_113 = tpu.matmul %select_n3A_111, %slice3A_101, %dot_general3A_112 {dimension_numbers = #tpu.dot_dimension_numbers<[1], [0], [0], [1], [0, 0, 1, 1], [], []>, transpose_lhs_hint = false} : vector<128x128xf32>, vector<128x1024xf32>, vector<128x1024xf32> -> vector<128x1024xf32>
    %slice3A_114 = vector.extract_strided_slice %add3A_9 {offsets = [896, 0], sizes = [128, 1024], strides = [1, 1]} : vector<1024x1024xf32> to vector<128x1024xf32>
    %slice3A_115 = vector.extract_strided_slice %add3A_19 {offsets = [896, 0], sizes = [128, 1024], strides = [1, 1]} : vector<1024x1024xf32> to vector<128x1024xf32>
    %dot_general3A_116 = arith.constant dense<0.000000e+00> : vector<128x128xf32>
    %dot_general3A_117 = tpu.matmul %slice3A_114, %slice3A_114, %dot_general3A_116 {dimension_numbers = #tpu.dot_dimension_numbers<[1], [1], [0], [0], [0, 0, 1, 0], [], []>, transpose_lhs_hint = false} : vector<128x1024xf32>, vector<128x1024xf32>, vector<128x128xf32> -> vector<128x128xf32>
    %mul3A_118 = arith.constant 1.250000e-01 : f32
    %mul3A_119 = vector.broadcast %mul3A_118 : f32 to vector<128x128xf32>
    %mul3A_120 = arith.mulf %dot_general3A_117, %mul3A_119 : vector<128x128xf32>
    %eq3A_121 = arith.cmpi eq, %iota3A, %iota3A_20 : vector<128x128xi32>
    %div3A_122 = arith.constant 1.000000e+05 : f32
    %div3A_123 = vector.broadcast %div3A_122 : f32 to vector<128x128xf32>
    %div3A_124 = arith.divf %mul3A_120, %div3A_123 : vector<128x128xf32>
    %select_n3A_125 = arith.select %eq3A_121, %div3A_124, %mul3A_120 : vector<128x128xi1>, vector<128x128xf32>
    %dot_general3A_126 = arith.constant dense<0.000000e+00> : vector<128x1024xf32>
    %dot_general3A_127 = tpu.matmul %select_n3A_125, %slice3A_115, %dot_general3A_126 {dimension_numbers = #tpu.dot_dimension_numbers<[1], [0], [0], [1], [0, 0, 1, 1], [], []>, transpose_lhs_hint = false} : vector<128x128xf32>, vector<128x1024xf32>, vector<128x1024xf32> -> vector<128x1024xf32>
    %concatenate3A = tpu.concatenate %dot_general3A_29, %dot_general3A_43, %dot_general3A_57, %dot_general3A_71, %dot_general3A_85, %dot_general3A_99, %dot_general3A_113, %dot_general3A_127 in 0 : vector<128x1024xf32>, vector<128x1024xf32>, vector<128x1024xf32>, vector<128x1024xf32>, vector<128x1024xf32>, vector<128x1024xf32>, vector<128x1024xf32>, vector<128x1024xf32> -> vector<1024x1024xf32>
    %get3A_128 = arith.constant 0 : index
    %get3A_129 = arith.constant 0 : index
    %get3A_130 = vector.load %arg7[%get3A_128, %get3A_129] : memref<1024x512xf32, #tpu.memory_space<vmem>>, vector<1024x512xf32>
    %dot_general3A_131 = arith.constant dense<0.000000e+00> : vector<1024x512xf32>
    %dot_general3A_132 = tpu.matmul %concatenate3A, %get3A_130, %dot_general3A_131 {dimension_numbers = #tpu.dot_dimension_numbers<[1], [0], [0], [1], [0, 0, 1, 1], [], []>, transpose_lhs_hint = false} : vector<1024x1024xf32>, vector<1024x512xf32>, vector<1024x512xf32> -> vector<1024x512xf32>
    %get3A_133 = arith.constant 0 : index
    %get3A_134 = arith.constant 0 : index
    %get3A_135 = vector.load %arg8[%get3A_133, %get3A_134] : memref<1x512xf32, #tpu.memory_space<vmem>>, vector<1x512xf32>
    %add3A_136 = vector.broadcast %get3A_135 : vector<1x512xf32> to vector<1024x512xf32>
    %add3A_137 = arith.addf %dot_general3A_132, %add3A_136 : vector<1024x512xf32>
    %get3A_138 = arith.constant 0 : index
    %get3A_139 = arith.constant 0 : index
    %get3A_140 = vector.load %arg1[%get3A_138, %get3A_139] : memref<1024x1024xf32, #tpu.memory_space<vmem>>, vector<1024x512xf32>
    %get3A_141 = arith.constant 0 : index
    %get3A_142 = arith.constant 512 : index
    %get3A_143 = vector.load %arg1[%get3A_141, %get3A_142] : memref<1024x1024xf32, #tpu.memory_space<vmem>>, vector<1024x512xf32>
    %add3A_144 = arith.addf %get3A_140, %add3A_137 : vector<1024x512xf32>
    %reduce_sum3A = arith.constant dense<0.000000e+00> : vector<1024xf32>
    %reduce_sum3A_145 = vector.multi_reduction <add>, %add3A_144, %reduce_sum3A [1] : vector<1024x512xf32> to vector<1024xf32>
    %broadcast_in_dim3A = vector.shape_cast %reduce_sum3A_145 : vector<1024xf32> to vector<1024x1xf32>
    %div3A_146 = arith.constant 5.120000e+02 : f32
    %div3A_147 = vector.broadcast %div3A_146 : f32 to vector<1024x1xf32>
    %div3A_148 = arith.divf %broadcast_in_dim3A, %div3A_147 : vector<1024x1xf32>
    %sub3A = vector.broadcast %div3A_148 : vector<1024x1xf32> to vector<1024x512xf32>
    %sub3A_149 = arith.subf %add3A_144, %sub3A : vector<1024x512xf32>
    %integer_pow3A = arith.mulf %sub3A_149, %sub3A_149 : vector<1024x512xf32>
    %reduce_sum3A_150 = arith.constant dense<0.000000e+00> : vector<1024xf32>
    %reduce_sum3A_151 = vector.multi_reduction <add>, %integer_pow3A, %reduce_sum3A_150 [1] : vector<1024x512xf32> to vector<1024xf32>
    %broadcast_in_dim3A_152 = vector.shape_cast %reduce_sum3A_151 : vector<1024xf32> to vector<1024x1xf32>
    %div3A_153 = arith.constant 5.120000e+02 : f32
    %div3A_154 = vector.broadcast %div3A_153 : f32 to vector<1024x1xf32>
    %div3A_155 = arith.divf %broadcast_in_dim3A_152, %div3A_154 : vector<1024x1xf32>
    %sub3A_156 = vector.broadcast %div3A_148 : vector<1024x1xf32> to vector<1024x512xf32>
    %sub3A_157 = arith.subf %add3A_144, %sub3A_156 : vector<1024x512xf32>
    %add3A_158 = arith.constant 9.99999974E-6 : f32
    %add3A_159 = vector.broadcast %add3A_158 : f32 to vector<1024x1xf32>
    %add3A_160 = arith.addf %div3A_155, %add3A_159 : vector<1024x1xf32>
    %sqrt3A = math.sqrt %add3A_160 : vector<1024x1xf32>
    %div3A_161 = vector.broadcast %sqrt3A : vector<1024x1xf32> to vector<1024x512xf32>
    %div3A_162 = arith.divf %sub3A_157, %div3A_161 : vector<1024x512xf32>
    %get3A_163 = arith.constant 0 : index
    %get3A_164 = arith.constant 0 : index
    %get3A_165 = vector.load %arg9[%get3A_163, %get3A_164] : memref<1x512xf32, #tpu.memory_space<vmem>>, vector<1x512xf32>
    %mul3A_166 = vector.broadcast %get3A_165 : vector<1x512xf32> to vector<1024x512xf32>
    %mul3A_167 = arith.mulf %div3A_162, %mul3A_166 : vector<1024x512xf32>
    %get3A_168 = arith.constant 0 : index
    %get3A_169 = arith.constant 0 : index
    %get3A_170 = vector.load %arg10[%get3A_168, %get3A_169] : memref<1x512xf32, #tpu.memory_space<vmem>>, vector<1x512xf32>
    %add3A_171 = vector.broadcast %get3A_170 : vector<1x512xf32> to vector<1024x512xf32>
    %add3A_172 = arith.addf %mul3A_167, %add3A_171 : vector<1024x512xf32>
    %get3A_173 = arith.constant 0 : index
    %get3A_174 = arith.constant 0 : index
    %get3A_175 = vector.load %arg11[%get3A_173, %get3A_174] : memref<512x2048xf32, #tpu.memory_space<vmem>>, vector<512x2048xf32>
    %dot_general3A_176 = arith.constant dense<0.000000e+00> : vector<1024x2048xf32>
    %dot_general3A_177 = tpu.matmul %add3A_172, %get3A_175, %dot_general3A_176 {dimension_numbers = #tpu.dot_dimension_numbers<[1], [0], [0], [1], [0, 0, 1, 1], [], []>, transpose_lhs_hint = false} : vector<1024x512xf32>, vector<512x2048xf32>, vector<1024x2048xf32> -> vector<1024x2048xf32>
    %get3A_178 = arith.constant 0 : index
    %get3A_179 = arith.constant 0 : index
    %get3A_180 = vector.load %arg12[%get3A_178, %get3A_179] : memref<1x2048xf32, #tpu.memory_space<vmem>>, vector<1x2048xf32>
    %add3A_181 = vector.broadcast %get3A_180 : vector<1x2048xf32> to vector<1024x2048xf32>
    %add3A_182 = arith.addf %dot_general3A_177, %add3A_181 : vector<1024x2048xf32>
    %max3A = arith.constant 0.000000e+00 : f32
    %max3A_183 = vector.broadcast %max3A : f32 to vector<1024x2048xf32>
    %max3A_184 = arith.maximumf %add3A_182, %max3A_183 : vector<1024x2048xf32>
    %get3A_185 = arith.constant 0 : index
    %get3A_186 = arith.constant 0 : index
    %get3A_187 = vector.load %arg13[%get3A_185, %get3A_186] : memref<2048x512xf32, #tpu.memory_space<vmem>>, vector<2048x512xf32>
    %dot_general3A_188 = arith.constant dense<0.000000e+00> : vector<1024x512xf32>
    %dot_general3A_189 = tpu.matmul %max3A_184, %get3A_187, %dot_general3A_188 {dimension_numbers = #tpu.dot_dimension_numbers<[1], [0], [0], [1], [0, 0, 1, 1], [], []>, transpose_lhs_hint = false} : vector<1024x2048xf32>, vector<2048x512xf32>, vector<1024x512xf32> -> vector<1024x512xf32>
    %get3A_190 = arith.constant 0 : index
    %get3A_191 = arith.constant 0 : index
    %get3A_192 = vector.load %arg14[%get3A_190, %get3A_191] : memref<1x512xf32, #tpu.memory_space<vmem>>, vector<1x512xf32>
    %add3A_193 = vector.broadcast %get3A_192 : vector<1x512xf32> to vector<1024x512xf32>
    %add3A_194 = arith.addf %dot_general3A_189, %add3A_193 : vector<1024x512xf32>
    %add3A_195 = arith.addf %get3A_143, %add3A_194 : vector<1024x512xf32>
    %reduce_sum3A_196 = arith.constant dense<0.000000e+00> : vector<1024xf32>
    %reduce_sum3A_197 = vector.multi_reduction <add>, %add3A_195, %reduce_sum3A_196 [1] : vector<1024x512xf32> to vector<1024xf32>
    %broadcast_in_dim3A_198 = vector.shape_cast %reduce_sum3A_197 : vector<1024xf32> to vector<1024x1xf32>
    %div3A_199 = arith.constant 5.120000e+02 : f32
    %div3A_200 = vector.broadcast %div3A_199 : f32 to vector<1024x1xf32>
    %div3A_201 = arith.divf %broadcast_in_dim3A_198, %div3A_200 : vector<1024x1xf32>
    %sub3A_202 = vector.broadcast %div3A_201 : vector<1024x1xf32> to vector<1024x512xf32>
    %sub3A_203 = arith.subf %add3A_195, %sub3A_202 : vector<1024x512xf32>
    %integer_pow3A_204 = arith.mulf %sub3A_203, %sub3A_203 : vector<1024x512xf32>
    %reduce_sum3A_205 = arith.constant dense<0.000000e+00> : vector<1024xf32>
    %reduce_sum3A_206 = vector.multi_reduction <add>, %integer_pow3A_204, %reduce_sum3A_205 [1] : vector<1024x512xf32> to vector<1024xf32>
    %broadcast_in_dim3A_207 = vector.shape_cast %reduce_sum3A_206 : vector<1024xf32> to vector<1024x1xf32>
    %div3A_208 = arith.constant 5.120000e+02 : f32
    %div3A_209 = vector.broadcast %div3A_208 : f32 to vector<1024x1xf32>
    %div3A_210 = arith.divf %broadcast_in_dim3A_207, %div3A_209 : vector<1024x1xf32>
    %sub3A_211 = vector.broadcast %div3A_201 : vector<1024x1xf32> to vector<1024x512xf32>
    %sub3A_212 = arith.subf %add3A_195, %sub3A_211 : vector<1024x512xf32>
    %add3A_213 = arith.constant 9.99999974E-6 : f32
    %add3A_214 = vector.broadcast %add3A_213 : f32 to vector<1024x1xf32>
    %add3A_215 = arith.addf %div3A_210, %add3A_214 : vector<1024x1xf32>
    %sqrt3A_216 = math.sqrt %add3A_215 : vector<1024x1xf32>
    %div3A_217 = vector.broadcast %sqrt3A_216 : vector<1024x1xf32> to vector<1024x512xf32>
    %div3A_218 = arith.divf %sub3A_212, %div3A_217 : vector<1024x512xf32>
    %get3A_219 = arith.constant 0 : index
    %get3A_220 = arith.constant 0 : index
    %get3A_221 = vector.load %arg15[%get3A_219, %get3A_220] : memref<1x512xf32, #tpu.memory_space<vmem>>, vector<1x512xf32>
    %mul3A_222 = vector.broadcast %get3A_221 : vector<1x512xf32> to vector<1024x512xf32>
    %mul3A_223 = arith.mulf %div3A_218, %mul3A_222 : vector<1024x512xf32>
    %get3A_224 = arith.constant 0 : index
    %get3A_225 = arith.constant 0 : index
    %get3A_226 = vector.load %arg16[%get3A_224, %get3A_225] : memref<1x512xf32, #tpu.memory_space<vmem>>, vector<1x512xf32>
    %add3A_227 = vector.broadcast %get3A_226 : vector<1x512xf32> to vector<1024x512xf32>
    %add3A_228 = arith.addf %mul3A_223, %add3A_227 : vector<1024x512xf32>
    %swap3A = arith.constant 0 : index
    %swap3A_229 = arith.constant 0 : index
    %swap3A_230 = vector.load %arg17[%swap3A, %swap3A_229] : memref<1024x1024xf32, #tpu.memory_space<vmem>>, vector<1024x512xf32>
    tpu.vector_store %arg17[%swap3A, %swap3A_229], %add3A_172 {strides = array<i32>} : memref<1024x1024xf32, #tpu.memory_space<vmem>>, vector<1024x512xf32>,
    %swap3A_231 = arith.constant 0 : index
    %swap3A_232 = arith.constant 512 : index
    %swap3A_233 = vector.load %arg17[%swap3A_231, %swap3A_232] : memref<1024x1024xf32, #tpu.memory_space<vmem>>, vector<1024x512xf32>
    tpu.vector_store %arg17[%swap3A_231, %swap3A_232], %add3A_228 {strides = array<i32>} : memref<1024x1024xf32, #tpu.memory_space<vmem>>, vector<1024x512xf32>,
    return
  }
  func.func @transform_0(%arg0: i32) -> (i32, i32) {
    %c0_i32 = arith.constant 0 : i32
    %c0_i32_0 = arith.constant 0 : i32
    return %arg0, %c0_i32 : i32, i32
  }
  func.func @transform_1(%arg0: i32) -> (i32, i32) {
    %c0_i32 = arith.constant 0 : i32
    %c0_i32_0 = arith.constant 0 : i32
    return %arg0, %c0_i32 : i32, i32
  }
  func.func @transform_2(%arg0: i32) -> (i32, i32) {
    %c0_i32 = arith.constant 0 : i32
    %c0_i32_0 = arith.constant 0 : i32
    %c0_i32_1 = arith.constant 0 : i32
    return %c0_i32, %c0_i32_0 : i32, i32
  }
  func.func @transform_3(%arg0: i32) -> (i32, i32) {
    %c0_i32 = arith.constant 0 : i32
    %c0_i32_0 = arith.constant 0 : i32
    %c0_i32_1 = arith.constant 0 : i32
    return %c0_i32, %c0_i32_0 : i32, i32
  }
  func.func @transform_4(%arg0: i32) -> (i32, i32) {
    %c0_i32 = arith.constant 0 : i32
    %c0_i32_0 = arith.constant 0 : i32
    %c0_i32_1 = arith.constant 0 : i32
    return %c0_i32, %c0_i32_0 : i32, i32
  }
  func.func @transform_5(%arg0: i32) -> (i32, i32) {
    %c0_i32 = arith.constant 0 : i32
    %c0_i32_0 = arith.constant 0 : i32
    %c0_i32_1 = arith.constant 0 : i32
    return %c0_i32, %c0_i32_0 : i32, i32
  }
  func.func @transform_6(%arg0: i32) -> (i32, i32) {
    %c0_i32 = arith.constant 0 : i32
    %c0_i32_0 = arith.constant 0 : i32
    %c0_i32_1 = arith.constant 0 : i32
    return %c0_i32, %c0_i32_0 : i32, i32
  }
  func.func @transform_7(%arg0: i32) -> (i32, i32) {
    %c0_i32 = arith.constant 0 : i32
    %c0_i32_0 = arith.constant 0 : i32
    %c0_i32_1 = arith.constant 0 : i32
    return %c0_i32, %c0_i32_0 : i32, i32
  }
  func.func @transform_8(%arg0: i32) -> (i32, i32) {
    %c0_i32 = arith.constant 0 : i32
    %c0_i32_0 = arith.constant 0 : i32
    %c0_i32_1 = arith.constant 0 : i32
    return %c0_i32, %c0_i32_0 : i32, i32
  }
  func.func @transform_9(%arg0: i32) -> (i32, i32) {
    %c0_i32 = arith.constant 0 : i32
    %c0_i32_0 = arith.constant 0 : i32
    %c0_i32_1 = arith.constant 0 : i32
    return %c0_i32, %c0_i32_0 : i32, i32
  }
  func.func @transform_10(%arg0: i32) -> (i32, i32) {
    %c0_i32 = arith.constant 0 : i32
    %c0_i32_0 = arith.constant 0 : i32
    %c0_i32_1 = arith.constant 0 : i32
    return %c0_i32, %c0_i32_0 : i32, i32
  }
  func.func @transform_11(%arg0: i32) -> (i32, i32) {
    %c0_i32 = arith.constant 0 : i32
    %c0_i32_0 = arith.constant 0 : i32
    %c0_i32_1 = arith.constant 0 : i32
    return %c0_i32, %c0_i32_0 : i32, i32
  }
  func.func @transform_12(%arg0: i32) -> (i32, i32) {
    %c0_i32 = arith.constant 0 : i32
    %c0_i32_0 = arith.constant 0 : i32
    %c0_i32_1 = arith.constant 0 : i32
    return %c0_i32, %c0_i32_0 : i32, i32
  }
  func.func @transform_13(%arg0: i32) -> (i32, i32) {
    %c0_i32 = arith.constant 0 : i32
    %c0_i32_0 = arith.constant 0 : i32
    %c0_i32_1 = arith.constant 0 : i32
    return %c0_i32, %c0_i32_0 : i32, i32
  }
  func.func @transform_14(%arg0: i32) -> (i32, i32) {
    %c0_i32 = arith.constant 0 : i32
    %c0_i32_0 = arith.constant 0 : i32
    %c0_i32_1 = arith.constant 0 : i32
    return %c0_i32, %c0_i32_0 : i32, i32
  }
  func.func @transform_15(%arg0: i32) -> (i32, i32) {
    %c0_i32 = arith.constant 0 : i32
    %c0_i32_0 = arith.constant 0 : i32
    %c0_i32_1 = arith.constant 0 : i32
    return %c0_i32, %c0_i32_0 : i32, i32
  }
  func.func @transform_16(%arg0: i32) -> (i32, i32) {
    %c0_i32 = arith.constant 0 : i32
    %c0_i32_0 = arith.constant 0 : i32
    return %arg0, %c0_i32 : i32, i32
  }
}

module attributes {stable_mosaic.version = 14 : i64} {
  func.func @_hash_sort_body(%arg0: i32, %arg1: memref<1024x512xf32, #tpu.memory_space<vmem>>, %arg2: memref<512x1024xf32, #tpu.memory_space<vmem>>, %arg3: memref<1x1024xf32, #tpu.memory_space<vmem>>, %arg4: memref<1024x32xf32, #tpu.memory_space<vmem>>, %arg5: memref<1024x512xf32, #tpu.memory_space<vmem>>, %arg6: memref<1x8x512xi32, #tpu.memory_space<vmem>>, %arg7: memref<8192x1xi32, #tpu.memory_space<vmem>>) attributes {dimension_semantics = [#tpu.dimension_semantics<arbitrary>], iteration_bounds = array<i64: 10>, scalar_prefetch = 0 : i64, scratch_operands = 1 : i64, tpu.core_type = #tpu.core_type<tc>, window_params = [{transform_indices = @transform_0, window_bounds = array<i64: 1024, 512>}, {pipeline_mode = #tpu.pipeline_mode<synchronous>, transform_indices = @transform_1, window_bounds = array<i64: 512, 1024>}, {pipeline_mode = #tpu.pipeline_mode<synchronous>, transform_indices = @transform_2, window_bounds = array<i64: 1, 1024>}, {pipeline_mode = #tpu.pipeline_mode<synchronous>, transform_indices = @transform_3, window_bounds = array<i64: 1024, 32>}, {transform_indices = @transform_4, window_bounds = array<i64: 1024, 512>}, {transform_indices = @transform_5, window_bounds = array<i64: 1, 8, 512>}]} {
    %lt3A = arith.constant 8 : i32
    %lt3A_0 = arith.cmpi slt, %arg0, %lt3A : i32
    %convert_element_type3A = arith.extui %lt3A_0 : i1 to i32
    %cond3A = arith.constant 0 : i32
    %cond3A_1 = arith.cmpi ne, %convert_element_type3A, %cond3A : i32
    scf.if %cond3A_1 {
      %get3A = arith.constant 0 : index
      %get3A_6 = arith.constant 0 : index
      %get3A_7 = vector.load %arg1[%get3A, %get3A_6] : memref<1024x512xf32, #tpu.memory_space<vmem>>, vector<1024x512xf32>
      %swap3A = arith.constant 0 : index
      %swap3A_8 = arith.constant 0 : index
      %swap3A_9 = vector.load %arg5[%swap3A, %swap3A_8] : memref<1024x512xf32, #tpu.memory_space<vmem>>, vector<1024x512xf32>
      tpu.vector_store %arg5[%swap3A, %swap3A_8], %get3A_7 {strides = array<i32>} : memref<1024x512xf32, #tpu.memory_space<vmem>>, vector<1024x512xf32>,
      %get3A_10 = arith.constant 0 : index
      %get3A_11 = arith.constant 0 : index
      %get3A_12 = vector.load %arg2[%get3A_10, %get3A_11] : memref<512x1024xf32, #tpu.memory_space<vmem>>, vector<512x1024xf32>
      %dot_general3A = arith.constant dense<0.000000e+00> : vector<1024x1024xf32>
      %dot_general3A_13 = tpu.matmul %get3A_7, %get3A_12, %dot_general3A {dimension_numbers = #tpu.dot_dimension_numbers<[1], [0], [0], [1], [0, 0, 1, 1], [], []>, transpose_lhs_hint = false} : vector<1024x512xf32>, vector<512x1024xf32>, vector<1024x1024xf32> -> vector<1024x1024xf32>
      %get3A_14 = arith.constant 0 : index
      %get3A_15 = arith.constant 0 : index
      %get3A_16 = vector.load %arg3[%get3A_14, %get3A_15] : memref<1x1024xf32, #tpu.memory_space<vmem>>, vector<1x1024xf32>
      %add3A = vector.broadcast %get3A_16 : vector<1x1024xf32> to vector<1024x1024xf32>
      %add3A_17 = arith.addf %dot_general3A_13, %add3A : vector<1024x1024xf32>
      %get3A_18 = arith.constant 0 : index
      %get3A_19 = arith.constant 0 : index
      %get3A_20 = vector.load %arg4[%get3A_18, %get3A_19] : memref<1024x32xf32, #tpu.memory_space<vmem>>, vector<1024x32xf32>
      %dot_general3A_21 = arith.constant dense<0.000000e+00> : vector<1024x32xf32>
      %dot_general3A_22 = tpu.matmul %add3A_17, %get3A_20, %dot_general3A_21 {dimension_numbers = #tpu.dot_dimension_numbers<[1], [0], [0], [1], [0, 0, 1, 1], [], []>, transpose_lhs_hint = false} : vector<1024x1024xf32>, vector<1024x32xf32>, vector<1024x32xf32> -> vector<1024x32xf32>
      %reduce_max3A = arith.constant dense<0xFF800000> : vector<1024xf32>
      %reduce_max3A_23 = vector.multi_reduction <maximumf>, %dot_general3A_22, %reduce_max3A [1] : vector<1024x32xf32> to vector<1024xf32>
      %broadcast_in_dim3A = vector.shape_cast %reduce_max3A_23 : vector<1024xf32> to vector<1024x1xf32>
      %neg3A = arith.constant 0.000000e+00 : f32
      %neg3A_24 = vector.broadcast %neg3A : f32 to vector<1024x32xf32>
      %neg3A_25 = arith.subf %neg3A_24, %dot_general3A_22 : vector<1024x32xf32>
      %reduce_max3A_26 = arith.constant dense<0xFF800000> : vector<1024xf32>
      %reduce_max3A_27 = vector.multi_reduction <maximumf>, %neg3A_25, %reduce_max3A_26 [1] : vector<1024x32xf32> to vector<1024xf32>
      %broadcast_in_dim3A_28 = vector.shape_cast %reduce_max3A_27 : vector<1024xf32> to vector<1024x1xf32>
      %max3A = arith.maximumf %broadcast_in_dim3A, %broadcast_in_dim3A_28 : vector<1024x1xf32>
      %iota3A = tpu.iota {dimensions = array<i32: 1>} : vector<1024x32xi32>
      %eq3A = vector.broadcast %max3A : vector<1024x1xf32> to vector<1024x32xf32>
      %eq3A_29 = arith.cmpf oeq, %dot_general3A_22, %eq3A : vector<1024x32xf32>
      %jit3A = arith.constant 128 : i32
      %broadcast_in_dim3A_30 = vector.broadcast %jit3A : i32 to vector<1024x32xi32>
      %select_n3A = arith.select %eq3A_29, %iota3A, %broadcast_in_dim3A_30 : vector<1024x32xi1>, vector<1024x32xi32>
      %reduce_min3A = arith.constant dense<2147483647> : vector<1024xi32>
      %reduce_min3A_31 = vector.multi_reduction <minsi>, %select_n3A, %reduce_min3A [1] : vector<1024x32xi32> to vector<1024xi32>
      %broadcast_in_dim3A_32 = vector.shape_cast %reduce_min3A_31 : vector<1024xi32> to vector<1024x1xi32>
      %neg3A_33 = arith.constant 0.000000e+00 : f32
      %neg3A_34 = vector.broadcast %neg3A_33 : f32 to vector<1024x32xf32>
      %neg3A_35 = arith.subf %neg3A_34, %dot_general3A_22 : vector<1024x32xf32>
      %eq3A_36 = vector.broadcast %max3A : vector<1024x1xf32> to vector<1024x32xf32>
      %eq3A_37 = arith.cmpf oeq, %neg3A_35, %eq3A_36 : vector<1024x32xf32>
      %add3A_38 = arith.constant 32 : i32
      %add3A_39 = vector.broadcast %add3A_38 : i32 to vector<1024x32xi32>
      %add3A_40 = arith.addi %iota3A, %add3A_39 : vector<1024x32xi32>
      %jit3A_41 = arith.constant 128 : i32
      %broadcast_in_dim3A_42 = vector.broadcast %jit3A_41 : i32 to vector<1024x32xi32>
      %select_n3A_43 = arith.select %eq3A_37, %add3A_40, %broadcast_in_dim3A_42 : vector<1024x32xi1>, vector<1024x32xi32>
      %reduce_min3A_44 = arith.constant dense<2147483647> : vector<1024xi32>
      %reduce_min3A_45 = vector.multi_reduction <minsi>, %select_n3A_43, %reduce_min3A_44 [1] : vector<1024x32xi32> to vector<1024xi32>
      %broadcast_in_dim3A_46 = vector.shape_cast %reduce_min3A_45 : vector<1024xi32> to vector<1024x1xi32>
      %min3A = arith.minsi %broadcast_in_dim3A_32, %broadcast_in_dim3A_46 : vector<1024x1xi32>
      %mul3A = arith.constant 1024 : i32
      %mul3A_47 = arith.muli %arg0, %mul3A : i32
      %swap3A_48 = arith.index_cast %mul3A_47 : i32 to index
      %swap3A_49 = arith.constant 0 : index
      %swap3A_50 = vector.load %arg7[%swap3A_48, %swap3A_49] : memref<8192x1xi32, #tpu.memory_space<vmem>>, vector<1024x1xi32>
      tpu.vector_store %arg7[%swap3A_48, %swap3A_49], %min3A {strides = array<i32>} : memref<8192x1xi32, #tpu.memory_space<vmem>>, vector<1024x1xi32>,
    } else {
    }
    %ge3A = arith.constant 8 : i32
    %ge3A_2 = arith.cmpi sge, %arg0, %ge3A : i32
    %convert_element_type3A_3 = arith.extui %ge3A_2 : i1 to i32
    %cond3A_4 = arith.constant 0 : i32
    %cond3A_5 = arith.cmpi ne, %convert_element_type3A_3, %cond3A_4 : i32
    scf.if %cond3A_5 {
      %sub3A = arith.constant 8 : i32
      %sub3A_6 = arith.subi %arg0, %sub3A : i32
      %mul3A = arith.constant 4096 : i32
      %mul3A_7 = arith.muli %sub3A_6, %mul3A : i32
      %get3A = arith.index_cast %mul3A_7 : i32 to index
      %get3A_8 = arith.constant 0 : index
      %get3A_9 = vector.load %arg7[%get3A, %get3A_8] : memref<8192x1xi32, #tpu.memory_space<vmem>>, vector<4096x1xi32>
      %iota3A = tpu.iota {dimensions = array<i32: 1>} : vector<4096x64xi32>
      %eq3A = vector.broadcast %get3A_9 : vector<4096x1xi32> to vector<4096x64xi32>
      %eq3A_10 = arith.cmpi eq, %eq3A, %iota3A : vector<4096x64xi32>
      %convert_element_type3A_11 = arith.extui %eq3A_10 : vector<4096x64xi1> to vector<4096x64xi32>
      %convert_element_type3A_12 = arith.sitofp %convert_element_type3A_11 : vector<4096x64xi32> to vector<4096x64xf32>
      %reduce_sum3A = arith.constant dense<0.000000e+00> : vector<64xf32>
      %reduce_sum3A_13 = vector.multi_reduction <add>, %convert_element_type3A_12, %reduce_sum3A [0] : vector<4096x64xf32> to vector<64xf32>
      %broadcast_in_dim3A = vector.shape_cast %reduce_sum3A_13 : vector<64xf32> to vector<1x64xf32>
      %iota3A_14 = tpu.iota {dimensions = array<i32: 0>} : vector<64x64xi32>
      %iota3A_15 = tpu.iota {dimensions = array<i32: 1>} : vector<64x64xi32>
      %lt3A_16 = arith.cmpi slt, %iota3A_14, %iota3A_15 : vector<64x64xi32>
      %convert_element_type3A_17 = arith.extui %lt3A_16 : vector<64x64xi1> to vector<64x64xi32>
      %convert_element_type3A_18 = arith.sitofp %convert_element_type3A_17 : vector<64x64xi32> to vector<64x64xf32>
      %dot_general3A = arith.constant dense<0.000000e+00> : vector<1x64xf32>
      %dot_general3A_19 = tpu.matmul %broadcast_in_dim3A, %convert_element_type3A_18, %dot_general3A {dimension_numbers = #tpu.dot_dimension_numbers<[1], [0], [0], [1], [0, 0, 1, 1], [], []>, transpose_lhs_hint = false} : vector<1x64xf32>, vector<64x64xf32>, vector<1x64xf32> -> vector<1x64xf32>
      %iota3A_20 = tpu.iota {dimensions = array<i32: 0>} : vector<512x512xi32>
      %iota3A_21 = tpu.iota {dimensions = array<i32: 1>} : vector<512x512xi32>
      %lt3A_22 = arith.cmpi slt, %iota3A_21, %iota3A_20 : vector<512x512xi32>
      %convert_element_type3A_23 = arith.extui %lt3A_22 : vector<512x512xi1> to vector<512x512xi32>
      %convert_element_type3A_24 = arith.sitofp %convert_element_type3A_23 : vector<512x512xi32> to vector<512x512xf32>
      %slice3A = vector.extract_strided_slice %convert_element_type3A_12 {offsets = [0, 0], sizes = [512, 64], strides = [1, 1]} : vector<4096x64xf32> to vector<512x64xf32>
      %dot_general3A_25 = arith.constant dense<0.000000e+00> : vector<512x64xf32>
      %dot_general3A_26 = tpu.matmul %convert_element_type3A_24, %slice3A, %dot_general3A_25 {dimension_numbers = #tpu.dot_dimension_numbers<[1], [0], [0], [1], [0, 0, 1, 1], [], []>, transpose_lhs_hint = false} : vector<512x512xf32>, vector<512x64xf32>, vector<512x64xf32> -> vector<512x64xf32>
      %add3A = vector.broadcast %dot_general3A_19 : vector<1x64xf32> to vector<512x64xf32>
      %add3A_27 = arith.addf %dot_general3A_26, %add3A : vector<512x64xf32>
      %mul3A_28 = arith.mulf %add3A_27, %slice3A : vector<512x64xf32>
      %reduce_sum3A_29 = arith.constant dense<0.000000e+00> : vector<512xf32>
      %reduce_sum3A_30 = vector.multi_reduction <add>, %mul3A_28, %reduce_sum3A_29 [1] : vector<512x64xf32> to vector<512xf32>
      %broadcast_in_dim3A_31 = vector.shape_cast %reduce_sum3A_30 : vector<512xf32> to vector<512x1xf32>
      %reduce_sum3A_32 = arith.constant dense<0.000000e+00> : vector<64xf32>
      %reduce_sum3A_33 = vector.multi_reduction <add>, %slice3A, %reduce_sum3A_32 [0] : vector<512x64xf32> to vector<64xf32>
      %broadcast_in_dim3A_34 = vector.shape_cast %reduce_sum3A_33 : vector<64xf32> to vector<1x64xf32>
      %add3A_35 = arith.addf %dot_general3A_19, %broadcast_in_dim3A_34 : vector<1x64xf32>
      %squeeze3A = vector.shape_cast %broadcast_in_dim3A_31 : vector<512x1xf32> to vector<512xf32>
      %convert_element_type3A_36 = arith.fptosi %squeeze3A : vector<512xf32> to vector<512xi32>
      %mul3A_37 = arith.constant 4096 : i32
      %mul3A_38 = arith.muli %sub3A_6, %mul3A_37 : i32
      %add3A_39 = vector.broadcast %mul3A_38 : i32 to vector<512xi32>
      %add3A_40 = arith.addi %convert_element_type3A_36, %add3A_39 : vector<512xi32>
      %swap3A = arith.constant 0 : index
      %swap3A_41 = arith.constant 0 : index
      %swap3A_42 = arith.constant 0 : index
      %swap3A_43 = vector.load %arg6[%swap3A, %swap3A_41, %swap3A_42] : memref<1x8x512xi32, #tpu.memory_space<vmem>>, vector<1x1x512xi32>
      %swap3A_44 = vector.shape_cast %swap3A_43 : vector<1x1x512xi32> to vector<512xi32>
      %swap3A_45 = vector.shape_cast %add3A_40 : vector<512xi32> to vector<1x1x512xi32>
      tpu.vector_store %arg6[%swap3A, %swap3A_41, %swap3A_42], %swap3A_45 {strides = array<i32>} : memref<1x8x512xi32, #tpu.memory_space<vmem>>, vector<1x1x512xi32>,
      %slice3A_46 = vector.extract_strided_slice %convert_element_type3A_12 {offsets = [512, 0], sizes = [512, 64], strides = [1, 1]} : vector<4096x64xf32> to vector<512x64xf32>
      %dot_general3A_47 = arith.constant dense<0.000000e+00> : vector<512x64xf32>
      %dot_general3A_48 = tpu.matmul %convert_element_type3A_24, %slice3A_46, %dot_general3A_47 {dimension_numbers = #tpu.dot_dimension_numbers<[1], [0], [0], [1], [0, 0, 1, 1], [], []>, transpose_lhs_hint = false} : vector<512x512xf32>, vector<512x64xf32>, vector<512x64xf32> -> vector<512x64xf32>
      %add3A_49 = vector.broadcast %add3A_35 : vector<1x64xf32> to vector<512x64xf32>
      %add3A_50 = arith.addf %dot_general3A_48, %add3A_49 : vector<512x64xf32>
      %mul3A_51 = arith.mulf %add3A_50, %slice3A_46 : vector<512x64xf32>
      %reduce_sum3A_52 = arith.constant dense<0.000000e+00> : vector<512xf32>
      %reduce_sum3A_53 = vector.multi_reduction <add>, %mul3A_51, %reduce_sum3A_52 [1] : vector<512x64xf32> to vector<512xf32>
      %broadcast_in_dim3A_54 = vector.shape_cast %reduce_sum3A_53 : vector<512xf32> to vector<512x1xf32>
      %reduce_sum3A_55 = arith.constant dense<0.000000e+00> : vector<64xf32>
      %reduce_sum3A_56 = vector.multi_reduction <add>, %slice3A_46, %reduce_sum3A_55 [0] : vector<512x64xf32> to vector<64xf32>
      %broadcast_in_dim3A_57 = vector.shape_cast %reduce_sum3A_56 : vector<64xf32> to vector<1x64xf32>
      %add3A_58 = arith.addf %add3A_35, %broadcast_in_dim3A_57 : vector<1x64xf32>
      %squeeze3A_59 = vector.shape_cast %broadcast_in_dim3A_54 : vector<512x1xf32> to vector<512xf32>
      %convert_element_type3A_60 = arith.fptosi %squeeze3A_59 : vector<512xf32> to vector<512xi32>
      %mul3A_61 = arith.constant 4096 : i32
      %mul3A_62 = arith.muli %sub3A_6, %mul3A_61 : i32
      %add3A_63 = vector.broadcast %mul3A_62 : i32 to vector<512xi32>
      %add3A_64 = arith.addi %convert_element_type3A_60, %add3A_63 : vector<512xi32>
      %swap3A_65 = arith.constant 0 : index
      %swap3A_66 = arith.constant 1 : index
      %swap3A_67 = arith.constant 0 : index
      %swap3A_68 = vector.load %arg6[%swap3A_65, %swap3A_66, %swap3A_67] : memref<1x8x512xi32, #tpu.memory_space<vmem>>, vector<1x1x512xi32>
      %swap3A_69 = vector.shape_cast %swap3A_68 : vector<1x1x512xi32> to vector<512xi32>
      %swap3A_70 = vector.shape_cast %add3A_64 : vector<512xi32> to vector<1x1x512xi32>
      tpu.vector_store %arg6[%swap3A_65, %swap3A_66, %swap3A_67], %swap3A_70 {strides = array<i32>} : memref<1x8x512xi32, #tpu.memory_space<vmem>>, vector<1x1x512xi32>,
      %slice3A_71 = vector.extract_strided_slice %convert_element_type3A_12 {offsets = [1024, 0], sizes = [512, 64], strides = [1, 1]} : vector<4096x64xf32> to vector<512x64xf32>
      %dot_general3A_72 = arith.constant dense<0.000000e+00> : vector<512x64xf32>
      %dot_general3A_73 = tpu.matmul %convert_element_type3A_24, %slice3A_71, %dot_general3A_72 {dimension_numbers = #tpu.dot_dimension_numbers<[1], [0], [0], [1], [0, 0, 1, 1], [], []>, transpose_lhs_hint = false} : vector<512x512xf32>, vector<512x64xf32>, vector<512x64xf32> -> vector<512x64xf32>
      %add3A_74 = vector.broadcast %add3A_58 : vector<1x64xf32> to vector<512x64xf32>
      %add3A_75 = arith.addf %dot_general3A_73, %add3A_74 : vector<512x64xf32>
      %mul3A_76 = arith.mulf %add3A_75, %slice3A_71 : vector<512x64xf32>
      %reduce_sum3A_77 = arith.constant dense<0.000000e+00> : vector<512xf32>
      %reduce_sum3A_78 = vector.multi_reduction <add>, %mul3A_76, %reduce_sum3A_77 [1] : vector<512x64xf32> to vector<512xf32>
      %broadcast_in_dim3A_79 = vector.shape_cast %reduce_sum3A_78 : vector<512xf32> to vector<512x1xf32>
      %reduce_sum3A_80 = arith.constant dense<0.000000e+00> : vector<64xf32>
      %reduce_sum3A_81 = vector.multi_reduction <add>, %slice3A_71, %reduce_sum3A_80 [0] : vector<512x64xf32> to vector<64xf32>
      %broadcast_in_dim3A_82 = vector.shape_cast %reduce_sum3A_81 : vector<64xf32> to vector<1x64xf32>
      %add3A_83 = arith.addf %add3A_58, %broadcast_in_dim3A_82 : vector<1x64xf32>
      %squeeze3A_84 = vector.shape_cast %broadcast_in_dim3A_79 : vector<512x1xf32> to vector<512xf32>
      %convert_element_type3A_85 = arith.fptosi %squeeze3A_84 : vector<512xf32> to vector<512xi32>
      %mul3A_86 = arith.constant 4096 : i32
      %mul3A_87 = arith.muli %sub3A_6, %mul3A_86 : i32
      %add3A_88 = vector.broadcast %mul3A_87 : i32 to vector<512xi32>
      %add3A_89 = arith.addi %convert_element_type3A_85, %add3A_88 : vector<512xi32>
      %swap3A_90 = arith.constant 0 : index
      %swap3A_91 = arith.constant 2 : index
      %swap3A_92 = arith.constant 0 : index
      %swap3A_93 = vector.load %arg6[%swap3A_90, %swap3A_91, %swap3A_92] : memref<1x8x512xi32, #tpu.memory_space<vmem>>, vector<1x1x512xi32>
      %swap3A_94 = vector.shape_cast %swap3A_93 : vector<1x1x512xi32> to vector<512xi32>
      %swap3A_95 = vector.shape_cast %add3A_89 : vector<512xi32> to vector<1x1x512xi32>
      tpu.vector_store %arg6[%swap3A_90, %swap3A_91, %swap3A_92], %swap3A_95 {strides = array<i32>} : memref<1x8x512xi32, #tpu.memory_space<vmem>>, vector<1x1x512xi32>,
      %slice3A_96 = vector.extract_strided_slice %convert_element_type3A_12 {offsets = [1536, 0], sizes = [512, 64], strides = [1, 1]} : vector<4096x64xf32> to vector<512x64xf32>
      %dot_general3A_97 = arith.constant dense<0.000000e+00> : vector<512x64xf32>
      %dot_general3A_98 = tpu.matmul %convert_element_type3A_24, %slice3A_96, %dot_general3A_97 {dimension_numbers = #tpu.dot_dimension_numbers<[1], [0], [0], [1], [0, 0, 1, 1], [], []>, transpose_lhs_hint = false} : vector<512x512xf32>, vector<512x64xf32>, vector<512x64xf32> -> vector<512x64xf32>
      %add3A_99 = vector.broadcast %add3A_83 : vector<1x64xf32> to vector<512x64xf32>
      %add3A_100 = arith.addf %dot_general3A_98, %add3A_99 : vector<512x64xf32>
      %mul3A_101 = arith.mulf %add3A_100, %slice3A_96 : vector<512x64xf32>
      %reduce_sum3A_102 = arith.constant dense<0.000000e+00> : vector<512xf32>
      %reduce_sum3A_103 = vector.multi_reduction <add>, %mul3A_101, %reduce_sum3A_102 [1] : vector<512x64xf32> to vector<512xf32>
      %broadcast_in_dim3A_104 = vector.shape_cast %reduce_sum3A_103 : vector<512xf32> to vector<512x1xf32>
      %reduce_sum3A_105 = arith.constant dense<0.000000e+00> : vector<64xf32>
      %reduce_sum3A_106 = vector.multi_reduction <add>, %slice3A_96, %reduce_sum3A_105 [0] : vector<512x64xf32> to vector<64xf32>
      %broadcast_in_dim3A_107 = vector.shape_cast %reduce_sum3A_106 : vector<64xf32> to vector<1x64xf32>
      %add3A_108 = arith.addf %add3A_83, %broadcast_in_dim3A_107 : vector<1x64xf32>
      %squeeze3A_109 = vector.shape_cast %broadcast_in_dim3A_104 : vector<512x1xf32> to vector<512xf32>
      %convert_element_type3A_110 = arith.fptosi %squeeze3A_109 : vector<512xf32> to vector<512xi32>
      %mul3A_111 = arith.constant 4096 : i32
      %mul3A_112 = arith.muli %sub3A_6, %mul3A_111 : i32
      %add3A_113 = vector.broadcast %mul3A_112 : i32 to vector<512xi32>
      %add3A_114 = arith.addi %convert_element_type3A_110, %add3A_113 : vector<512xi32>
      %swap3A_115 = arith.constant 0 : index
      %swap3A_116 = arith.constant 3 : index
      %swap3A_117 = arith.constant 0 : index
      %swap3A_118 = vector.load %arg6[%swap3A_115, %swap3A_116, %swap3A_117] : memref<1x8x512xi32, #tpu.memory_space<vmem>>, vector<1x1x512xi32>
      %swap3A_119 = vector.shape_cast %swap3A_118 : vector<1x1x512xi32> to vector<512xi32>
      %swap3A_120 = vector.shape_cast %add3A_114 : vector<512xi32> to vector<1x1x512xi32>
      tpu.vector_store %arg6[%swap3A_115, %swap3A_116, %swap3A_117], %swap3A_120 {strides = array<i32>} : memref<1x8x512xi32, #tpu.memory_space<vmem>>, vector<1x1x512xi32>,
      %slice3A_121 = vector.extract_strided_slice %convert_element_type3A_12 {offsets = [2048, 0], sizes = [512, 64], strides = [1, 1]} : vector<4096x64xf32> to vector<512x64xf32>
      %dot_general3A_122 = arith.constant dense<0.000000e+00> : vector<512x64xf32>
      %dot_general3A_123 = tpu.matmul %convert_element_type3A_24, %slice3A_121, %dot_general3A_122 {dimension_numbers = #tpu.dot_dimension_numbers<[1], [0], [0], [1], [0, 0, 1, 1], [], []>, transpose_lhs_hint = false} : vector<512x512xf32>, vector<512x64xf32>, vector<512x64xf32> -> vector<512x64xf32>
      %add3A_124 = vector.broadcast %add3A_108 : vector<1x64xf32> to vector<512x64xf32>
      %add3A_125 = arith.addf %dot_general3A_123, %add3A_124 : vector<512x64xf32>
      %mul3A_126 = arith.mulf %add3A_125, %slice3A_121 : vector<512x64xf32>
      %reduce_sum3A_127 = arith.constant dense<0.000000e+00> : vector<512xf32>
      %reduce_sum3A_128 = vector.multi_reduction <add>, %mul3A_126, %reduce_sum3A_127 [1] : vector<512x64xf32> to vector<512xf32>
      %broadcast_in_dim3A_129 = vector.shape_cast %reduce_sum3A_128 : vector<512xf32> to vector<512x1xf32>
      %reduce_sum3A_130 = arith.constant dense<0.000000e+00> : vector<64xf32>
      %reduce_sum3A_131 = vector.multi_reduction <add>, %slice3A_121, %reduce_sum3A_130 [0] : vector<512x64xf32> to vector<64xf32>
      %broadcast_in_dim3A_132 = vector.shape_cast %reduce_sum3A_131 : vector<64xf32> to vector<1x64xf32>
      %add3A_133 = arith.addf %add3A_108, %broadcast_in_dim3A_132 : vector<1x64xf32>
      %squeeze3A_134 = vector.shape_cast %broadcast_in_dim3A_129 : vector<512x1xf32> to vector<512xf32>
      %convert_element_type3A_135 = arith.fptosi %squeeze3A_134 : vector<512xf32> to vector<512xi32>
      %mul3A_136 = arith.constant 4096 : i32
      %mul3A_137 = arith.muli %sub3A_6, %mul3A_136 : i32
      %add3A_138 = vector.broadcast %mul3A_137 : i32 to vector<512xi32>
      %add3A_139 = arith.addi %convert_element_type3A_135, %add3A_138 : vector<512xi32>
      %swap3A_140 = arith.constant 0 : index
      %swap3A_141 = arith.constant 4 : index
      %swap3A_142 = arith.constant 0 : index
      %swap3A_143 = vector.load %arg6[%swap3A_140, %swap3A_141, %swap3A_142] : memref<1x8x512xi32, #tpu.memory_space<vmem>>, vector<1x1x512xi32>
      %swap3A_144 = vector.shape_cast %swap3A_143 : vector<1x1x512xi32> to vector<512xi32>
      %swap3A_145 = vector.shape_cast %add3A_139 : vector<512xi32> to vector<1x1x512xi32>
      tpu.vector_store %arg6[%swap3A_140, %swap3A_141, %swap3A_142], %swap3A_145 {strides = array<i32>} : memref<1x8x512xi32, #tpu.memory_space<vmem>>, vector<1x1x512xi32>,
      %slice3A_146 = vector.extract_strided_slice %convert_element_type3A_12 {offsets = [2560, 0], sizes = [512, 64], strides = [1, 1]} : vector<4096x64xf32> to vector<512x64xf32>
      %dot_general3A_147 = arith.constant dense<0.000000e+00> : vector<512x64xf32>
      %dot_general3A_148 = tpu.matmul %convert_element_type3A_24, %slice3A_146, %dot_general3A_147 {dimension_numbers = #tpu.dot_dimension_numbers<[1], [0], [0], [1], [0, 0, 1, 1], [], []>, transpose_lhs_hint = false} : vector<512x512xf32>, vector<512x64xf32>, vector<512x64xf32> -> vector<512x64xf32>
      %add3A_149 = vector.broadcast %add3A_133 : vector<1x64xf32> to vector<512x64xf32>
      %add3A_150 = arith.addf %dot_general3A_148, %add3A_149 : vector<512x64xf32>
      %mul3A_151 = arith.mulf %add3A_150, %slice3A_146 : vector<512x64xf32>
      %reduce_sum3A_152 = arith.constant dense<0.000000e+00> : vector<512xf32>
      %reduce_sum3A_153 = vector.multi_reduction <add>, %mul3A_151, %reduce_sum3A_152 [1] : vector<512x64xf32> to vector<512xf32>
      %broadcast_in_dim3A_154 = vector.shape_cast %reduce_sum3A_153 : vector<512xf32> to vector<512x1xf32>
      %reduce_sum3A_155 = arith.constant dense<0.000000e+00> : vector<64xf32>
      %reduce_sum3A_156 = vector.multi_reduction <add>, %slice3A_146, %reduce_sum3A_155 [0] : vector<512x64xf32> to vector<64xf32>
      %broadcast_in_dim3A_157 = vector.shape_cast %reduce_sum3A_156 : vector<64xf32> to vector<1x64xf32>
      %add3A_158 = arith.addf %add3A_133, %broadcast_in_dim3A_157 : vector<1x64xf32>
      %squeeze3A_159 = vector.shape_cast %broadcast_in_dim3A_154 : vector<512x1xf32> to vector<512xf32>
      %convert_element_type3A_160 = arith.fptosi %squeeze3A_159 : vector<512xf32> to vector<512xi32>
      %mul3A_161 = arith.constant 4096 : i32
      %mul3A_162 = arith.muli %sub3A_6, %mul3A_161 : i32
      %add3A_163 = vector.broadcast %mul3A_162 : i32 to vector<512xi32>
      %add3A_164 = arith.addi %convert_element_type3A_160, %add3A_163 : vector<512xi32>
      %swap3A_165 = arith.constant 0 : index
      %swap3A_166 = arith.constant 5 : index
      %swap3A_167 = arith.constant 0 : index
      %swap3A_168 = vector.load %arg6[%swap3A_165, %swap3A_166, %swap3A_167] : memref<1x8x512xi32, #tpu.memory_space<vmem>>, vector<1x1x512xi32>
      %swap3A_169 = vector.shape_cast %swap3A_168 : vector<1x1x512xi32> to vector<512xi32>
      %swap3A_170 = vector.shape_cast %add3A_164 : vector<512xi32> to vector<1x1x512xi32>
      tpu.vector_store %arg6[%swap3A_165, %swap3A_166, %swap3A_167], %swap3A_170 {strides = array<i32>} : memref<1x8x512xi32, #tpu.memory_space<vmem>>, vector<1x1x512xi32>,
      %slice3A_171 = vector.extract_strided_slice %convert_element_type3A_12 {offsets = [3072, 0], sizes = [512, 64], strides = [1, 1]} : vector<4096x64xf32> to vector<512x64xf32>
      %dot_general3A_172 = arith.constant dense<0.000000e+00> : vector<512x64xf32>
      %dot_general3A_173 = tpu.matmul %convert_element_type3A_24, %slice3A_171, %dot_general3A_172 {dimension_numbers = #tpu.dot_dimension_numbers<[1], [0], [0], [1], [0, 0, 1, 1], [], []>, transpose_lhs_hint = false} : vector<512x512xf32>, vector<512x64xf32>, vector<512x64xf32> -> vector<512x64xf32>
      %add3A_174 = vector.broadcast %add3A_158 : vector<1x64xf32> to vector<512x64xf32>
      %add3A_175 = arith.addf %dot_general3A_173, %add3A_174 : vector<512x64xf32>
      %mul3A_176 = arith.mulf %add3A_175, %slice3A_171 : vector<512x64xf32>
      %reduce_sum3A_177 = arith.constant dense<0.000000e+00> : vector<512xf32>
      %reduce_sum3A_178 = vector.multi_reduction <add>, %mul3A_176, %reduce_sum3A_177 [1] : vector<512x64xf32> to vector<512xf32>
      %broadcast_in_dim3A_179 = vector.shape_cast %reduce_sum3A_178 : vector<512xf32> to vector<512x1xf32>
      %reduce_sum3A_180 = arith.constant dense<0.000000e+00> : vector<64xf32>
      %reduce_sum3A_181 = vector.multi_reduction <add>, %slice3A_171, %reduce_sum3A_180 [0] : vector<512x64xf32> to vector<64xf32>
      %broadcast_in_dim3A_182 = vector.shape_cast %reduce_sum3A_181 : vector<64xf32> to vector<1x64xf32>
      %add3A_183 = arith.addf %add3A_158, %broadcast_in_dim3A_182 : vector<1x64xf32>
      %squeeze3A_184 = vector.shape_cast %broadcast_in_dim3A_179 : vector<512x1xf32> to vector<512xf32>
      %convert_element_type3A_185 = arith.fptosi %squeeze3A_184 : vector<512xf32> to vector<512xi32>
      %mul3A_186 = arith.constant 4096 : i32
      %mul3A_187 = arith.muli %sub3A_6, %mul3A_186 : i32
      %add3A_188 = vector.broadcast %mul3A_187 : i32 to vector<512xi32>
      %add3A_189 = arith.addi %convert_element_type3A_185, %add3A_188 : vector<512xi32>
      %swap3A_190 = arith.constant 0 : index
      %swap3A_191 = arith.constant 6 : index
      %swap3A_192 = arith.constant 0 : index
      %swap3A_193 = vector.load %arg6[%swap3A_190, %swap3A_191, %swap3A_192] : memref<1x8x512xi32, #tpu.memory_space<vmem>>, vector<1x1x512xi32>
      %swap3A_194 = vector.shape_cast %swap3A_193 : vector<1x1x512xi32> to vector<512xi32>
      %swap3A_195 = vector.shape_cast %add3A_189 : vector<512xi32> to vector<1x1x512xi32>
      tpu.vector_store %arg6[%swap3A_190, %swap3A_191, %swap3A_192], %swap3A_195 {strides = array<i32>} : memref<1x8x512xi32, #tpu.memory_space<vmem>>, vector<1x1x512xi32>,
      %slice3A_196 = vector.extract_strided_slice %convert_element_type3A_12 {offsets = [3584, 0], sizes = [512, 64], strides = [1, 1]} : vector<4096x64xf32> to vector<512x64xf32>
      %dot_general3A_197 = arith.constant dense<0.000000e+00> : vector<512x64xf32>
      %dot_general3A_198 = tpu.matmul %convert_element_type3A_24, %slice3A_196, %dot_general3A_197 {dimension_numbers = #tpu.dot_dimension_numbers<[1], [0], [0], [1], [0, 0, 1, 1], [], []>, transpose_lhs_hint = false} : vector<512x512xf32>, vector<512x64xf32>, vector<512x64xf32> -> vector<512x64xf32>
      %add3A_199 = vector.broadcast %add3A_183 : vector<1x64xf32> to vector<512x64xf32>
      %add3A_200 = arith.addf %dot_general3A_198, %add3A_199 : vector<512x64xf32>
      %mul3A_201 = arith.mulf %add3A_200, %slice3A_196 : vector<512x64xf32>
      %reduce_sum3A_202 = arith.constant dense<0.000000e+00> : vector<512xf32>
      %reduce_sum3A_203 = vector.multi_reduction <add>, %mul3A_201, %reduce_sum3A_202 [1] : vector<512x64xf32> to vector<512xf32>
      %broadcast_in_dim3A_204 = vector.shape_cast %reduce_sum3A_203 : vector<512xf32> to vector<512x1xf32>
      %squeeze3A_205 = vector.shape_cast %broadcast_in_dim3A_204 : vector<512x1xf32> to vector<512xf32>
      %convert_element_type3A_206 = arith.fptosi %squeeze3A_205 : vector<512xf32> to vector<512xi32>
      %mul3A_207 = arith.constant 4096 : i32
      %mul3A_208 = arith.muli %sub3A_6, %mul3A_207 : i32
      %add3A_209 = vector.broadcast %mul3A_208 : i32 to vector<512xi32>
      %add3A_210 = arith.addi %convert_element_type3A_206, %add3A_209 : vector<512xi32>
      %swap3A_211 = arith.constant 0 : index
      %swap3A_212 = arith.constant 7 : index
      %swap3A_213 = arith.constant 0 : index
      %swap3A_214 = vector.load %arg6[%swap3A_211, %swap3A_212, %swap3A_213] : memref<1x8x512xi32, #tpu.memory_space<vmem>>, vector<1x1x512xi32>
      %swap3A_215 = vector.shape_cast %swap3A_214 : vector<1x1x512xi32> to vector<512xi32>
      %swap3A_216 = vector.shape_cast %add3A_210 : vector<512xi32> to vector<1x1x512xi32>
      tpu.vector_store %arg6[%swap3A_211, %swap3A_212, %swap3A_213], %swap3A_216 {strides = array<i32>} : memref<1x8x512xi32, #tpu.memory_space<vmem>>, vector<1x1x512xi32>,
    } else {
    }
    return
  }
  func.func @transform_0(%arg0: i32) -> (i32, i32) {
    %min3A = arith.constant 7 : i32
    %min3A_0 = arith.minsi %arg0, %min3A : i32
    %c1_i32 = arith.constant 1 : i32
    %c0_i32 = arith.constant 0 : i32
    return %min3A_0, %c1_i32 : i32, i32
  }
  func.func @transform_1(%arg0: i32) -> (i32, i32) {
    %c0_i32 = arith.constant 0 : i32
    %c0_i32_0 = arith.constant 0 : i32
    %c0_i32_1 = arith.constant 0 : i32
    return %c0_i32, %c0_i32_0 : i32, i32
  }
  func.func @transform_2(%arg0: i32) -> (i32, i32) {
    %c0_i32 = arith.constant 0 : i32
    %c0_i32_0 = arith.constant 0 : i32
    %c0_i32_1 = arith.constant 0 : i32
    return %c0_i32, %c0_i32_0 : i32, i32
  }
  func.func @transform_3(%arg0: i32) -> (i32, i32) {
    %c0_i32 = arith.constant 0 : i32
    %c0_i32_0 = arith.constant 0 : i32
    %c0_i32_1 = arith.constant 0 : i32
    return %c0_i32, %c0_i32_0 : i32, i32
  }
  func.func @transform_4(%arg0: i32) -> (i32, i32) {
    %min3A = arith.constant 7 : i32
    %min3A_0 = arith.minsi %arg0, %min3A : i32
    %c0_i32 = arith.constant 0 : i32
    %c0_i32_1 = arith.constant 0 : i32
    return %min3A_0, %c0_i32 : i32, i32
  }
  func.func @transform_5(%arg0: i32) -> (i32, i32, i32) {
    %sub3A = arith.constant 8 : i32
    %sub3A_0 = arith.subi %arg0, %sub3A : i32
    %max3A = arith.constant 0 : i32
    %max3A_1 = arith.maxsi %sub3A_0, %max3A : i32
    %c0_i32 = arith.constant 0 : i32
    %c0_i32_2 = arith.constant 0 : i32
    %c0_i32_3 = arith.constant 0 : i32
    return %max3A_1, %c0_i32, %c0_i32_2 : i32, i32, i32
  }
}

</mosaic_0001>

<sc_bundles>
// kernel: kernel.5.cloned.1.call-start
scs
__scs_entry_jumppad:
0x0: {  	(pc) =	sbr.rel $0x88, $3  }
0x1: {  	(tag) =	ssettag $0x0;
	lr =	simm.s32 $0x1  }
0x2: {  	[smem:$0x3F91] =	sst lr;
	_ =	strace $0xD0000000  }
0x3: {  	_ = 	snop  }
0x4: {  	_ = 	snop  }
0x5: {  	_ = 	snop  }
0x6: {  	_ = 	snop  }
0x7: {  	_ = 	snop  }
__scs_overlays_trampoline_lowered:
0x8: {  	[smem:$0x3FA0] =	sst s0  }
0x9: {  	[smem:$0x3FA1] =	sst s1  }
0xa: {  	[smem:$0x3FA2] =	sst s2  }
0xb: {  	[smem:$0x3FA3] =	sst s3  }
0xc: {  	[smem:$0x3FA4] =	sst s4  }
0xd: {  	[smem:$0x3FA5] =	sst s5  }
0xe: {  	[smem:$0x3FA6] =	sst s6  }
0xf: {  	[smem:$0x3FA7] =	sst s7  }
0x10: {  	[smem:$0x3FA8] =	sst s8  }
0x11: {  	[smem:$0x3FA9] =	sst s9;
	s0 =	simm.s32 @!p0 $0x0  }
0x12: {  	s1 =	sld [smem:$0x3F8F];
	s0 =	simm.s32 @p0 $0x1  }
0x13: {  	[smem:$0x3FAA] =	sst s0;
	s0 =	simm.s32 @!p1 $0x0  }
0x14: {  	s2 =	sld [smem:$0x3F8E];
	s0 =	simm.s32 @p1 $0x1  }
0x15: {  	[smem:$0x3FAB] =	sst s0;
	s0 =	simm.s32 @!p2 $0x0  }
0x16: {  	s3 =	sld [smem:$0x3FDB];
	s0 =	simm.s32 @p2 $0x1  }
0x17: {  	s4 =	simm.s32 $0x1BF5;
	[smem:$0x3FAD] =	sst s0  }
0x18: {  	s0 =	sld [smem:$0x3F90];
	_ =	swait.ge [sflag:s4], $0x0  }
0x19: {  	s7 =	sld [smem:$0x3F91]  }
0x1a: {  	s8 =	sadd.s32 $0xFFFFE003, lr  }
0x1b: {  	s9 =	sadd.s32 $0xFFFFFEF7, lr;
	s5 =	simm.s32 $0xFFFFFFFF;
	p2 =	slt.u32 s8, $0xFFFFF086  }
0x1c: {  	p1 =	slt.u32 s9, $0xF7A;
	s5 =	simm.s32 @!p2 $0x0  }
0x1d: {  	s5 =	simm.s32 @p1 $0x1;
	p0 =	seq.s32 s7, s2  }
0x1e: {  	s7 =	smul.u32 @!p0 $0xF7A, s2;
	p2 =	seq.s32 @!p0 s5, $0x0  }
0x1f: {  	s9 =	smul.u32 $0xF7A, s1;
	s8 =	simm.s32 @!p0 $0x1BF5;
	p2 =	por !p2, p0  }
0x20: {  	[sflag:s8] =	ssyncset.s32 @!p0 $0xFFFFF086;
	s6 =	sadd.s32 @!p0 s3, s7;
	s7 =	simm.s32 @!p0 $0x108  }
0x21: {  	s3 =	sadd.s32 s3, s9;
	s6 =	sadd.s32 @!p0 $0x88, s6;
	s7 =	simm.s32 @p2 $0x1082  }
0x22: {  	[simem:s7], [sflag:s8] =	dma.local @!p0 [hbm:s6], $0xF7A  }
0x23: {  	s9 =	sor.u32 $0xD0000000, s2;
	s6 =	simm.s32 $0x108;
	_ =	swait.ge @!p0 [sflag:s8], $0x0  }
0x24: {  	s3 =	sadd.s32 $0x88, s3;
	s6 =	simm.s32 @!p1 $0x1082;
	[sflag:s4] =	ssyncset.s32 $0xFFFFF086  }
0x25: {  	[simem:s6], [sflag:s4] =	dma.local [hbm:s3], $0xF7A  }
0x26: {  	[smem:$0x3F91] =	sst s1;
	(tag) =	ssettag s2;
	_ =	strace s9  }
0x27: {  	s1 =	sld [smem:$0x3FA1]  }
0x28: {  	s2 =	sld [smem:$0x3FA2]  }
0x29: {  	s4 =	sld [smem:$0x3FA4]  }
0x2a: {  	p0 =	seq.s32 s5, $0x0;
	s5 =	sld [smem:$0x3FA5]  }
0x2b: {  	s6 =	sld [smem:$0x3FA6]  }
0x2c: {  	s7 =	sld [smem:$0x3FA7]  }
0x2d: {  	s3 =	simm.s32 $0x108;
	s8 =	sld [smem:$0x3FA8]  }
0x2e: {  	s3 =	simm.s32 @!p0 $0x1082;
	s9 =	sld [smem:$0x3FA9]  }
0x2f: {  	lr =	sadd.s32 s0, s3;
	s0 =	sld [smem:$0x3FA0]  }
0x30: {  	s3 =	sld [smem:$0x3FA3]  }
0x31: {  	[smem:$0x3FAC] =	sst s10  }
0x32: {  	s10 =	sld [smem:$0x3FAA];
	_ =	sdelay $0x3  }
0x33: {  	p0 =	seq.s32 s10, $0x1;
	s10 =	sld [smem:$0x3FAC];
	_ =	sdelay $0x3  }
0x34: {  	[smem:$0x3FAC] =	sst s10  }
0x35: {  	s10 =	sld [smem:$0x3FAB];
	_ =	sdelay $0x3  }
0x36: {  	p1 =	seq.s32 s10, $0x1;
	s10 =	sld [smem:$0x3FAC];
	_ =	sdelay $0x3  }
0x37: {  	[smem:$0x3FAC] =	sst s10  }
0x38: {  	s10 =	sld [smem:$0x3FAD]  }
0x39: {  	_ = 	snop;
	(pc) =	sbr.ind lr, $3  }
0x3a: {  	_ = 	snop  }
0x3b: {  	_ = 	snop  }
0x3c: {  	p2 =	seq.s32 s10, $0x1;
	s10 =	sld [smem:$0x3FAC]  }
0x3d: {  	_ =	shalt  }
0x3e: {  	_ =	shalt  }
0x3f: {  	_ =	shalt  }
0x40: {  	_ =	shalt  }
0x41: {  	_ =	shalt  }
0x42: {  	_ =	shalt  }
0x43: {  	_ =	shalt  }
0x44: {  	_ =	shalt  }
0x45: {  	_ =	shalt  }
0x46: {  	_ =	shalt  }
0x47: {  	_ =	shalt  }
0x48: {  	_ =	shalt  }
0x49: {  	_ =	shalt  }
0x4a: {  	_ =	shalt  }
0x4b: {  	_ =	shalt  }
0x4c: {  	_ =	shalt  }
0x4d: {  	_ =	shalt  }
0x4e: {  	_ =	shalt  }
0x4f: {  	_ =	shalt  }
0x50: {  	_ =	shalt  }
0x51: {  	_ =	shalt  }
0x52: {  	_ =	shalt  }
0x53: {  	_ =	shalt  }
0x54: {  	_ =	shalt  }
0x55: {  	_ =	shalt  }
0x56: {  	_ =	shalt  }
0x57: {  	_ =	shalt  }
0x58: {  	_ =	shalt  }
0x59: {  	_ =	shalt  }
0x5a: {  	_ =	shalt  }
0x5b: {  	_ =	shalt  }
0x5c: {  	_ =	shalt  }
0x5d: {  	_ =	shalt  }
0x5e: {  	_ =	shalt  }
0x5f: {  	_ =	shalt  }
0x60: {  	_ =	shalt  }
0x61: {  	_ =	shalt  }
0x62: {  	_ =	shalt  }
0x63: {  	_ =	shalt  }
0x64: {  	_ =	shalt  }
0x65: {  	_ =	shalt  }
0x66: {  	_ =	shalt  }
0x67: {  	_ =	shalt  }
0x68: {  	_ =	shalt  }
0x69: {  	_ =	shalt  }
0x6a: {  	_ =	shalt  }
0x6b: {  	_ =	shalt  }
0x6c: {  	_ =	shalt  }
0x6d: {  	_ =	shalt  }
0x6e: {  	_ =	shalt  }
0x6f: {  	_ =	shalt  }
0x70: {  	_ =	shalt  }
0x71: {  	_ =	shalt  }
0x72: {  	_ =	shalt  }
0x73: {  	_ =	shalt  }
0x74: {  	_ =	shalt  }
0x75: {  	_ =	shalt  }
0x76: {  	_ =	shalt  }
0x77: {  	_ =	shalt  }
0x78: {  	_ =	shalt  }
0x79: {  	_ =	shalt  }
0x7a: {  	_ =	shalt  }
0x7b: {  	_ =	shalt  }
0x7c: {  	_ =	shalt  }
0x7d: {  	_ =	shalt  }
0x7e: {  	_ =	shalt  }
0x7f: {  	_ =	shalt  }
0x80: {  	_ =	shalt  }
0x81: {  	_ =	shalt  }
0x82: {  	_ =	shalt  }
0x83: {  	_ =	shalt  }
0x84: {  	_ =	shalt  }
0x85: {  	_ =	shalt  }
0x86: {  	_ =	shalt  }
0x87: {  	_ =	shalt  }
.Lfunc_end0:
.L_simem_size_0:
called_computation_lowered:
.L_overlay_start_0:
0x88: {  	s2 =	sld [smem:$0x3FD9]  }
0x89: {  	s3 =	sld [smem:$0x3FFE];
	_ =	sdelay $0x1  }
0x8a: {  	s1 =	srdreg.scid  }
0x8b: {  	s0 =	sand.u32 $0x1, s1  }
0x8c: {  	s17 =	sshll.u32 s0, $0xA;
	s2 =	sadd.s32 s3, s2  }
0x8d: {  	s2 =	sadd.s32 s2, s17  }
0x8e: {  	[smem:$0x3FB8] =	sst s2  }
0x8f: {  	_ = 	snop  }
0x90: {  	s2 =	sld [smem:$0x3FD0];
	(tm) =	ssettm $0x1  }
0x91: {  	s18 =	sld [smem:$0x3FFB];
	_ =	sdelay $0x3  }
0x92: {  	_ =	strace s18  }
0x93: {  	s3 =	sld [smem:$0x3FFC];
	_ =	sdelay $0x3  }
0x94: {  	_ =	strace s3  }
0x95: {  	s3 =	sld [smem:$0x3FFD];
	_ =	sdelay $0x3  }
0x96: {  	_ =	strace s3  }
0x97: {  	_ =	strace $0x8FFFFFFF  }
0x98: {  	s19 =	sld [smem:$0x3FDB];
	_ =	sdelay $0x1  }
0x99: {  	s4 =	simm.s32 $_scs_section_size  }
0x9a: {  	s5 =	simm.s32 $_size__tile_overlayer_lowered;
	s6 =	simm.s32 $_tile_overlayer_lowered  }
0x9b: {  	s22 =	simm.s32 $0x1BFF;
	s21 =	sshll.u32 s6, $0x1;
	s3 =	sadd.s32 s4, s19  }
0x9c: {  	s7 =	simm.s32 $0x0;
	s20 =	sshll.u32 s5, $0x1;
	s5 =	sadd.s32 s21, s3  }
0x9d: {  	[timem:s7], [sflag:s22] =	dma.local [hbm:s5], s20  }
0x9e: {  	_ =	swait.ge [sflag:s22], s20  }
0x9f: {  	s4 =	ssub.s32 $0x0, s20;
	[sflag:s22] =	ssyncset.done $0x0  }
0xa0: {  	[sflag:s22] =	ssyncadd.s32 s4;
	_ =	sdelay $0x1  }
0xa1: {  	s23 =	simm.s32 $0x1B8B  }
0xa2: {  	_ =	swait.ge [sflag:s23], $0x1  }
0xa3: {  	[sflag:s23] =	ssyncset.done $0x0  }
0xa4: {  	s25 =	simm.s32 $0x1B8E;
	s24 =	sld [smem:$0x3FFE];
	[sflag:s23] =	ssyncadd.s32 $0xFFFFFFFF  }
0xa5: {  	s26 =	simm.s32 $execute0_lowered;
	[smem:$0x3FD2] =	sst s25  }
0xa6: {  	s5 =	sshll.u32 s26, $0x1;
	_ =	strace $0x80000046;
	[dreg:$0x1] =	wrdreg $0xFFFFFFFF  }
0xa7: {  	s28 =	simm.s32 $_size_execute0_lowered;
	s3 =	sadd.s32 s3, s5;
	[dreg:$0x0] =	wrdreg $0x0  }
0xa8: {  	s5 =	sshll.u32 s28, $0x1;
	[dreg:$0x2] =	wrdreg s3  }
0xa9: {  	[dreg:$0x3] =	wrdreg s5  }
0xaa: {  	[dreg:$0x4] =	wrdreg $0xC0  }
0xab: {  	_ =	task [dreg:s7], $0x5FFFF  }
0xac: {  	[dreg:$0x1] =	wrdreg $0xFFFFFFFF  }
0xad: {  	[dreg:$0x0] =	wrdreg $0x60  }
0xae: {  	[dreg:$0x2] =	wrdreg s2  }
0xaf: {  	[dreg:$0x3] =	wrdreg s24  }
0xb0: {  	[dreg:$0x4] =	wrdreg $0x9  }
0xb1: {  	_ =	task.clear_ibuf [dreg:s7], $0x5FFFF;
	_ =	strace $0x90000046  }
0xb2: {  	s29 =	simm.s32 $0x9;
	_ =	strace $0x80000048  }
0xb3: {  	_ =	swait.ge [sflag:s29], $0x1  }
0xb4: {  	[sflag:s29] =	ssyncadd.s32 $0xFFFFFFFF  }
0xb5: {  	_ =	strace $0x90000048  }
0xb6: {  	_ =	sfence  }
0xb7: {  	s30 =	sld [smem:$0x0];
	_ =	sdelay $0x2  }
0xb8: {  	s31 =	sshll.u32 s1, $0xD;
	s1 =	sshrl.u32 s1, $0x2  }
0xb9: {  	s3 =	sand.u32 $0x4000, s31;
	s1 =	sadd.s32 s1, s30  }
0xba: {  	s0 =	sor.u32 s3, s0;
	s1 =	sshll.u32 s1, $0x11  }
0xbb: {  	s0 =	sor.u32 s1, s0  }
0xbc: {  	s0 =	sadd.s32 $0x8F2B, s0  }
0xbd: {  	[sflag:s0] =	ssyncadd.remote.s32 $0x1  }
0xbe: {  	_ =	sfence.sel $0xFFFF  }
0xbf: {  	[dreg:$0x0] =	wrdreg $0xFFFFFFFF;
	(pc) =	sbr.abs _section_cstart, $3  }
0xc0: {  	[dreg:$0x1] =	wrdreg $0xFFFFFFFF  }
0xc1: {  	_ =	task.clear_ibuf [dreg:s7], $0x2FFFF;
	_ =	strace $0x9FFFFFFF  }
0xc2: {  	(tm) =	ssettm $0x7FFFFFFF  }
0xc3: {  	_ =	shalt  }
tec
execute0_lowered:
.L_overlay_start_1:
0x0: {  	(tag) =	ssettag $0x1  }
0x1: {  	s0 =	rddreg [dreg:$0x0];
	s1 =	srdreg.scid  }
0x2: {  	s5 =	rddreg [dreg:$0x1];
	s2 =	simm.s32 $0x0;
	s12 =	stileid.u32  }
0x3: {  	s18 =	simm.s32 $0x8A00;
	s19 =	simm.s32 $0x9200;
	[smem:$0x7FF] =	sst s2  }
0x4: {  	s20 =	simm.s32 $0x9A00;
	_ =	strace $0x80000047;
	[dreg:$0x7] =	wrdreg s18  }
0x5: {  	s21 =	simm.s32 $0xA200;
	s22 =	simm.s32 $0xAA00;
	[dreg:$0x8] =	wrdreg s19  }
0x6: {  	s23 =	simm.s32 $0xB200;
	s24 =	simm.s32 $0xBA00;
	[dreg:$0x9] =	wrdreg s20  }
0x7: {  	s25 =	simm.s32 $0xC200;
	s26 =	simm.s32 $0xCA00;
	[dreg:$0xa] =	wrdreg s21  }
0x8: {  	s9 =	simm.s32 $0xEA00;
	s10 =	simm.s32 $0xF200;
	[dreg:$0xb] =	wrdreg s22  }
0x9: {  	s11 =	simm.s32 $0xFA00;
	s28 =	simm.s32 $0x2;
	[dreg:$0xc] =	wrdreg s23  }
0xa: {  	s29 =	simm.s32 $0x4;
	s30 =	simm.s32 $0x3;
	[dreg:$0xd] =	wrdreg s24  }
0xb: {  	s31 =	simm.s32 $0x5;
	s6 =	sand.u32 $0x1, s1;
	[dreg:$0xe] =	wrdreg s25  }
0xc: {  	s4 =	sshll.u32 s12, $0x7;
	s7 =	sshll.u32 s12, $0xF;
	[dreg:$0xf] =	wrdreg s26  }
0xd: {  	s12 =	simm.s32 $0x10A00;
	s1 =	sshll.u32 s6, $0x6;
	[dreg:$0x13] =	wrdreg s9  }
0xe: {  	s8 =	sshll.u32 s6, $0xE;
	s6 =	ssub.s32 $0x2, s6;
	[dreg:$0x14] =	wrdreg s10  }
0xf: {  	s9 =	simm.s32 $0x8200;
	[dreg:$0x15] =	wrdreg s11;
	s10 =	simm.s32 $0x1  }
0x10: {  	[dreg:$0x16] =	wrdreg s12;
	s11 =	simm.s32 $0xA00;
	s12 =	simm.s32 $0x1200  }
0x11: {  	s18 =	simm.s32 $0x13A00;
	s19 =	simm.s32 $0x14200;
	s20 =	simm.s32 $0x14A00  }
0x12: {  	s21 =	simm.s32 $0x15200;
	s22 =	simm.s32 $0x15A00;
	[dreg:$0x1c] =	wrdreg s18  }
0x13: {  	s23 =	simm.s32 $0x16200;
	s24 =	simm.s32 $0x16A00;
	[dreg:$0x1d] =	wrdreg s19  }
0x14: {  	s25 =	simm.s32 $0x17200;
	s26 =	simm.s32 $0x17A00;
	[dreg:$0x1e] =	wrdreg s20  }
0x15: {  	s3 =	sadd.s32 s1, s5;
	s13 =	sor.u32 s8, s7;
	[dreg:$0x1f] =	wrdreg s21  }
0x16: {  	s1 =	sshrl.u32 s6, $0x1;
	s7 =	simm.s32 $0xDA00;
	[smem:$0x7F9] =	sst s22  }
0x17: {  	s8 =	simm.s32 $0xE200;
	s18 =	simm.s32 $0x4200;
	[smem:$0x7FA] =	sst s23  }
0x18: {  	s19 =	simm.s32 $0x4A00;
	s20 =	simm.s32 $0x5200;
	[smem:$0x7FB] =	sst s24  }
0x19: {  	s21 =	simm.s32 $0x5A00;
	s22 =	simm.s32 $0x6200;
	[smem:$0x7FC] =	sst s25  }
0x1a: {  	s23 =	simm.s32 $0x6A00;
	s24 =	simm.s32 $0x7200;
	[smem:$0x7FD] =	sst s26  }
0x1b: {  	s25 =	simm.s32 $0x7A00;
	s26 =	simm.s32 $0x10200;
	[dreg:$0x11] =	wrdreg s7  }
0x1c: {  	s3 =	sadd.s32 s4, s3;
	s15 =	sadd.s32 s0, s13;
	[dreg:$0x12] =	wrdreg s8  }
0x1d: {  	s4 =	sadd.s32 $0x2C00, s5;
	s13 =	simm.s32 $0x11200;
	[smem:$0x7F8] =	sst s15  }
0x1e: {  	s6 =	ssub.s32 s6, s1;
	s14 =	sadd.s32 $0x2400, s3;
	[dreg:$0x17] =	wrdreg s13  }
0x1f: {  	s5 =	sadd.s32 $0x2D00, s5;
	s0 =	sadd.s32 $0x1000, s15;
	[dreg:$0x3] =	wrdreg s14  }
0x20: {  	s7 =	simm.s32 $0x7;
	s16 =	sadd.s32 $0x2000, s15;
	[dreg:$0x4] =	wrdreg s0  }
0x21: {  	s8 =	simm.s32 $0x200;
	s17 =	sadd.s32 $0x3000, s15;
	[dreg:$0x5] =	wrdreg s16  }
0x22: {  	s3 =	simm.s32 $0xD200;
	s6 =	smax.u32 s6, $0x1;
	[dreg:$0x6] =	wrdreg s17  }
0x23: {  	s15 =	simm.s32 $0x12200;
	s13 =	simm.s32 $0x1A00;
	[dreg:$0x10] =	wrdreg s3  }
0x24: {  	s14 =	simm.s32 $0x11A00;
	[dreg:$0x19] =	wrdreg s15;
	s16 =	simm.s32 $0x12A00  }
0x25: {  	v2 =	vlaneseq.u32;
	s17 =	simm.s32 $0x13200;
	s15 =	simm.s32 $0x2A00;
	[dreg:$0x18] =	wrdreg s14  }
0x26: {  	vm0 =	vmmov $0xffff;
	v1 =	vshrl.u32 v2, $0x3;
	s0 =	simm.s32 $0x6;
	s14 =	simm.s32 $0x2200;
	[dreg:$0x1a] =	wrdreg s16  }
0x27: {  	v0 =	vand.u32 $0x7, v2;
	v2 =	vor.u32 $0x8, v2;
	v1 =	vmul.u32 $0x8, v1;
	[dreg:$0x1b] =	wrdreg s17;
	s16 =	simm.s32 $0x3200;
	s17 =	simm.s32 $0x3A00  }
.LBB2_1:
0x28: {  	s1 =	rddreg [dreg:$0x3]  }
0x29: {  	[tilespmem:s2], [sflag:$0x7] =	stream.linear.gather [hbm4b:s1+s2], $0x200, $0x38;
	[tilespmem:$0x18200] =	vst v63  }
0x2a: {  	_ =	swait.ge [sflag:s7], $0x200  }
0x2b: {  	s3 =	sld [smem:$0x7F8]  }
0x2c: {  	[sflag:s7] =	ssyncset.done $0x0  }
0x2d: {  	[sflag:s7] =	ssyncadd.s32 $0xFFFFFE00  }
0x2e: {  	[tilespmem:s8], [sflag:$0x1] =	stream.linear.gather [hbm4b:s3+s2], $0x8000, $0x38;
	[tilespmem:$0x18200] =	vst v63  }
0x2f: {  	s1 =	rddreg [dreg:$0x4]  }
0x30: {  	[tilespmem:s9], [sflag:$0x2] =	stream.linear.gather [hbm4b:s1+s2], $0x8000, $0x38;
	[tilespmem:$0x18200] =	vst v63  }
0x31: {  	_ =	swait.ge [sflag:s10], $0x8000  }
0x32: {  	[sflag:s10] =	ssyncset.done $0x0  }
0x33: {  	[sflag:s10] =	ssyncadd.s32 $0xFFFF8000  }
0x34: {  	v3 =	vld [tilespmem:$0x0];
	_ =	sdelay $0x4  }
0x35: {  	v4 =	vshll.u32 v3, $0x2  }
0x36: {  	v3 =	vand.u32 $0x7, v3;
	v4 =	vand.u32 $0xFFFFFFE0, v4  }
0x37: {  	v3 =	vor.u32 v3, v4  }
0x38: {  	v4 =	vperm.xlane v3, v0;
	_ =	sdelay $0x1  }
0x39: {  	v4 =	vadd.s32 v1, v4;
	_ =	sdelay $0x1  }
0x3a: {  	v3 =	vperm.xlane v3, v2;
	_ =	sdelay $0x1  }
0x3b: {  	v3 =	vadd.s32 v1, v3  }
0x3c: {  	[hbm4b:s4+s2] =	stream.indirect_vreg.scatter [tilespmem:s8], [sflag:$0x4], $0x80, v4, vm0, $0xb8;
	[tilespmem:$0x18200] =	vst v63  }
0x3d: {  	_ = 	snop  }
0x3e: {  	[hbm4b:s5+s2] =	stream.indirect_vreg.scatter [tilespmem:s11], [sflag:$0x4], $0x80, v4, vm0, $0xb8;
	[tilespmem:$0x18200] =	vst v63  }
0x3f: {  	_ = 	snop  }
0x40: {  	[hbm4b:s4+s2] =	stream.indirect_vreg.scatter [tilespmem:s12], [sflag:$0x4], $0x80, v3, vm0, $0xb8;
	[tilespmem:$0x18200] =	vst v63  }
0x41: {  	_ = 	snop  }
0x42: {  	[hbm4b:s5+s2] =	stream.indirect_vreg.scatter [tilespmem:s13], [sflag:$0x4], $0x80, v3, vm0, $0xb8;
	[tilespmem:$0x18200] =	vst v63  }
0x43: {  	v3 =	vld [tilespmem:$0x10];
	_ =	sdelay $0x4  }
0x44: {  	v49 =	vshll.u32 v3, $0x2  }
0x45: {  	v3 =	vand.u32 $0x7, v3;
	v4 =	vand.u32 $0xFFFFFFE0, v49  }
0x46: {  	v3 =	vor.u32 v3, v4  }
0x47: {  	v4 =	vperm.xlane v3, v0;
	_ =	sdelay $0x1  }
0x48: {  	v4 =	vadd.s32 v1, v4;
	_ =	sdelay $0x1  }
0x49: {  	v3 =	vperm.xlane v3, v2;
	_ =	sdelay $0x1  }
0x4a: {  	v3 =	vadd.s32 v1, v3  }
0x4b: {  	[hbm4b:s4+s2] =	stream.indirect_vreg.scatter [tilespmem:s14], [sflag:$0x4], $0x80, v4, vm0, $0xb8;
	[tilespmem:$0x18200] =	vst v63  }
0x4c: {  	_ = 	snop  }
0x4d: {  	[hbm4b:s5+s2] =	stream.indirect_vreg.scatter [tilespmem:s15], [sflag:$0x4], $0x80, v4, vm0, $0xb8;
	[tilespmem:$0x18200] =	vst v63  }
0x4e: {  	_ = 	snop  }
0x4f: {  	[hbm4b:s4+s2] =	stream.indirect_vreg.scatter [tilespmem:s16], [sflag:$0x4], $0x80, v3, vm0, $0xb8;
	[tilespmem:$0x18200] =	vst v63  }
0x50: {  	_ = 	snop  }
0x51: {  	[hbm4b:s5+s2] =	stream.indirect_vreg.scatter [tilespmem:s17], [sflag:$0x4], $0x80, v3, vm0, $0xb8;
	[tilespmem:$0x18200] =	vst v63  }
0x52: {  	v3 =	vld [tilespmem:$0x20];
	_ =	sdelay $0x4  }
0x53: {  	v50 =	vshll.u32 v3, $0x2  }
0x54: {  	v3 =	vand.u32 $0x7, v3;
	v4 =	vand.u32 $0xFFFFFFE0, v50  }
0x55: {  	v3 =	vor.u32 v3, v4  }
0x56: {  	v4 =	vperm.xlane v3, v0;
	_ =	sdelay $0x1  }
0x57: {  	v4 =	vadd.s32 v1, v4;
	_ =	sdelay $0x1  }
0x58: {  	v3 =	vperm.xlane v3, v2;
	_ =	sdelay $0x1  }
0x59: {  	v3 =	vadd.s32 v1, v3  }
0x5a: {  	[hbm4b:s4+s2] =	stream.indirect_vreg.scatter [tilespmem:s18], [sflag:$0x4], $0x80, v4, vm0, $0xb8;
	[tilespmem:$0x18200] =	vst v63  }
0x5b: {  	_ = 	snop  }
0x5c: {  	[hbm4b:s5+s2] =	stream.indirect_vreg.scatter [tilespmem:s19], [sflag:$0x4], $0x80, v4, vm0, $0xb8;
	[tilespmem:$0x18200] =	vst v63  }
0x5d: {  	_ = 	snop  }
0x5e: {  	[hbm4b:s4+s2] =	stream.indirect_vreg.scatter [tilespmem:s20], [sflag:$0x4], $0x80, v3, vm0, $0xb8;
	[tilespmem:$0x18200] =	vst v63  }
0x5f: {  	_ = 	snop  }
0x60: {  	[hbm4b:s5+s2] =	stream.indirect_vreg.scatter [tilespmem:s21], [sflag:$0x4], $0x80, v3, vm0, $0xb8;
	[tilespmem:$0x18200] =	vst v63  }
0x61: {  	v3 =	vld [tilespmem:$0x30];
	_ =	sdelay $0x4  }
0x62: {  	v51 =	vshll.u32 v3, $0x2  }
0x63: {  	v3 =	vand.u32 $0x7, v3;
	v4 =	vand.u32 $0xFFFFFFE0, v51  }
0x64: {  	v3 =	vor.u32 v3, v4  }
0x65: {  	v4 =	vperm.xlane v3, v0;
	_ =	sdelay $0x1  }
0x66: {  	v4 =	vadd.s32 v1, v4;
	_ =	sdelay $0x1  }
0x67: {  	v3 =	vperm.xlane v3, v2;
	_ =	sdelay $0x1  }
0x68: {  	v3 =	vadd.s32 v1, v3  }
0x69: {  	[hbm4b:s4+s2] =	stream.indirect_vreg.scatter [tilespmem:s22], [sflag:$0x4], $0x80, v4, vm0, $0xb8;
	[tilespmem:$0x18200] =	vst v63  }
0x6a: {  	_ = 	snop  }
0x6b: {  	[hbm4b:s5+s2] =	stream.indirect_vreg.scatter [tilespmem:s23], [sflag:$0x4], $0x80, v4, vm0, $0xb8;
	[tilespmem:$0x18200] =	vst v63  }
0x6c: {  	_ = 	snop  }
0x6d: {  	[hbm4b:s4+s2] =	stream.indirect_vreg.scatter [tilespmem:s24], [sflag:$0x4], $0x80, v3, vm0, $0xb8;
	[tilespmem:$0x18200] =	vst v63  }
0x6e: {  	_ = 	snop  }
0x6f: {  	[hbm4b:s5+s2] =	stream.indirect_vreg.scatter [tilespmem:s25], [sflag:$0x4], $0x80, v3, vm0, $0xb8;
	[tilespmem:$0x18200] =	vst v63  }
0x70: {  	s3 =	rddreg [dreg:$0x5]  }
0x71: {  	[tilespmem:s26], [sflag:$0x3] =	stream.linear.gather [hbm4b:s3+s2], $0x8000, $0x38;
	[tilespmem:$0x18200] =	vst v63  }
0x72: {  	_ =	swait.ge [sflag:s28], $0x8000  }
0x73: {  	[sflag:s28] =	ssyncset.done $0x0  }
0x74: {  	[sflag:s28] =	ssyncadd.s32 $0xFFFF8000  }
0x75: {  	v3 =	vld [tilespmem:$0x80];
	_ =	sdelay $0x4  }
0x76: {  	v52 =	vshll.u32 v3, $0x2  }
0x77: {  	v3 =	vand.u32 $0x7, v3;
	v4 =	vand.u32 $0xFFFFFFE0, v52  }
0x78: {  	v3 =	vor.u32 v3, v4  }
0x79: {  	v4 =	vperm.xlane v3, v0;
	_ =	sdelay $0x1  }
0x7a: {  	v4 =	vadd.s32 v1, v4;
	_ =	sdelay $0x1  }
0x7b: {  	v3 =	vperm.xlane v3, v2;
	_ =	sdelay $0x1  }
0x7c: {  	v3 =	vadd.s32 v1, v3  }
0x7d: {  	[hbm4b:s4+s2] =	stream.indirect_vreg.scatter [tilespmem:s9], [sflag:$0x5], $0x80, v4, vm0, $0xb8;
	[tilespmem:$0x18200] =	vst v63  }
0x7e: {  	s1 =	rddreg [dreg:$0x7]  }
0x7f: {  	[hbm4b:s5+s2] =	stream.indirect_vreg.scatter [tilespmem:s1], [sflag:$0x5], $0x80, v4, vm0, $0xb8;
	[tilespmem:$0x18200] =	vst v63  }
0x80: {  	s3 =	rddreg [dreg:$0x8]  }
0x81: {  	[hbm4b:s4+s2] =	stream.indirect_vreg.scatter [tilespmem:s3], [sflag:$0x5], $0x80, v3, vm0, $0xb8;
	[tilespmem:$0x18200] =	vst v63  }
0x82: {  	s1 =	rddreg [dreg:$0x9]  }
0x83: {  	[hbm4b:s5+s2] =	stream.indirect_vreg.scatter [tilespmem:s1], [sflag:$0x5], $0x80, v3, vm0, $0xb8;
	[tilespmem:$0x18200] =	vst v63  }
0x84: {  	v3 =	vld [tilespmem:$0x90];
	_ =	sdelay $0x4  }
0x85: {  	v53 =	vshll.u32 v3, $0x2  }
0x86: {  	v3 =	vand.u32 $0x7, v3;
	v4 =	vand.u32 $0xFFFFFFE0, v53  }
0x87: {  	v3 =	vor.u32 v3, v4  }
0x88: {  	v4 =	vperm.xlane v3, v0;
	_ =	sdelay $0x1  }
0x89: {  	v4 =	vadd.s32 v1, v4;
	_ =	sdelay $0x1  }
0x8a: {  	v3 =	vperm.xlane v3, v2;
	_ =	sdelay $0x1  }
0x8b: {  	s1 =	rddreg [dreg:$0xa];
	v3 =	vadd.s32 v1, v3  }
0x8c: {  	[hbm4b:s4+s2] =	stream.indirect_vreg.scatter [tilespmem:s1], [sflag:$0x5], $0x80, v4, vm0, $0xb8;
	[tilespmem:$0x18200] =	vst v63  }
0x8d: {  	s3 =	rddreg [dreg:$0xb]  }
0x8e: {  	[hbm4b:s5+s2] =	stream.indirect_vreg.scatter [tilespmem:s3], [sflag:$0x5], $0x80, v4, vm0, $0xb8;
	[tilespmem:$0x18200] =	vst v63  }
0x8f: {  	s1 =	rddreg [dreg:$0xc]  }
0x90: {  	[hbm4b:s4+s2] =	stream.indirect_vreg.scatter [tilespmem:s1], [sflag:$0x5], $0x80, v3, vm0, $0xb8;
	[tilespmem:$0x18200] =	vst v63  }
0x91: {  	s3 =	rddreg [dreg:$0xd]  }
0x92: {  	[hbm4b:s5+s2] =	stream.indirect_vreg.scatter [tilespmem:s3], [sflag:$0x5], $0x80, v3, vm0, $0xb8;
	[tilespmem:$0x18200] =	vst v63  }
0x93: {  	v3 =	vld [tilespmem:$0xA0];
	_ =	sdelay $0x4  }
0x94: {  	v54 =	vshll.u32 v3, $0x2  }
0x95: {  	v3 =	vand.u32 $0x7, v3;
	v4 =	vand.u32 $0xFFFFFFE0, v54  }
0x96: {  	v3 =	vor.u32 v3, v4  }
0x97: {  	v4 =	vperm.xlane v3, v0;
	_ =	sdelay $0x1  }
0x98: {  	v4 =	vadd.s32 v1, v4;
	_ =	sdelay $0x1  }
0x99: {  	v3 =	vperm.xlane v3, v2;
	_ =	sdelay $0x1  }
0x9a: {  	s1 =	rddreg [dreg:$0xe];
	v3 =	vadd.s32 v1, v3  }
0x9b: {  	[hbm4b:s4+s2] =	stream.indirect_vreg.scatter [tilespmem:s1], [sflag:$0x5], $0x80, v4, vm0, $0xb8;
	[tilespmem:$0x18200] =	vst v63  }
0x9c: {  	s3 =	rddreg [dreg:$0xf]  }
0x9d: {  	[hbm4b:s5+s2] =	stream.indirect_vreg.scatter [tilespmem:s3], [sflag:$0x5], $0x80, v4, vm0, $0xb8;
	[tilespmem:$0x18200] =	vst v63  }
0x9e: {  	s1 =	rddreg [dreg:$0x10]  }
0x9f: {  	[hbm4b:s4+s2] =	stream.indirect_vreg.scatter [tilespmem:s1], [sflag:$0x5], $0x80, v3, vm0, $0xb8;
	[tilespmem:$0x18200] =	vst v63  }
0xa0: {  	s3 =	rddreg [dreg:$0x11]  }
0xa1: {  	[hbm4b:s5+s2] =	stream.indirect_vreg.scatter [tilespmem:s3], [sflag:$0x5], $0x80, v3, vm0, $0xb8;
	[tilespmem:$0x18200] =	vst v63  }
0xa2: {  	v3 =	vld [tilespmem:$0xB0];
	_ =	sdelay $0x4  }
0xa3: {  	v55 =	vshll.u32 v3, $0x2  }
0xa4: {  	v3 =	vand.u32 $0x7, v3;
	v4 =	vand.u32 $0xFFFFFFE0, v55  }
0xa5: {  	v3 =	vor.u32 v3, v4  }
0xa6: {  	v4 =	vperm.xlane v3, v0;
	_ =	sdelay $0x1  }
0xa7: {  	v4 =	vadd.s32 v1, v4;
	_ =	sdelay $0x1  }
0xa8: {  	v3 =	vperm.xlane v3, v2;
	_ =	sdelay $0x1  }
0xa9: {  	s1 =	rddreg [dreg:$0x12];
	v3 =	vadd.s32 v1, v3  }
0xaa: {  	[hbm4b:s4+s2] =	stream.indirect_vreg.scatter [tilespmem:s1], [sflag:$0x5], $0x80, v4, vm0, $0xb8;
	[tilespmem:$0x18200] =	vst v63  }
0xab: {  	s3 =	rddreg [dreg:$0x13]  }
0xac: {  	[hbm4b:s5+s2] =	stream.indirect_vreg.scatter [tilespmem:s3], [sflag:$0x5], $0x80, v4, vm0, $0xb8;
	[tilespmem:$0x18200] =	vst v63  }
0xad: {  	s1 =	rddreg [dreg:$0x14]  }
0xae: {  	[hbm4b:s4+s2] =	stream.indirect_vreg.scatter [tilespmem:s1], [sflag:$0x5], $0x80, v3, vm0, $0xb8;
	[tilespmem:$0x18200] =	vst v63  }
0xaf: {  	s3 =	rddreg [dreg:$0x15]  }
0xb0: {  	[hbm4b:s5+s2] =	stream.indirect_vreg.scatter [tilespmem:s3], [sflag:$0x5], $0x80, v3, vm0, $0xb8;
	[tilespmem:$0x18200] =	vst v63  }
0xb1: {  	_ =	swait.ge [sflag:s29], $0x8000  }
0xb2: {  	[sflag:s29] =	ssyncset.done $0x0  }
0xb3: {  	s3 =	rddreg [dreg:$0x6];
	[sflag:s29] =	ssyncadd.s32 $0xFFFF8000  }
0xb4: {  	[tilespmem:s8], [sflag:$0x1] =	stream.linear.gather [hbm4b:s3+s2], $0x8000, $0x38;
	[tilespmem:$0x18200] =	vst v63  }
0xb5: {  	_ =	swait.ge [sflag:s30], $0x8000  }
0xb6: {  	[sflag:s30] =	ssyncset.done $0x0  }
0xb7: {  	[sflag:s30] =	ssyncadd.s32 $0xFFFF8000  }
0xb8: {  	v3 =	vld [tilespmem:$0x100];
	_ =	sdelay $0x4  }
0xb9: {  	v56 =	vshll.u32 v3, $0x2  }
0xba: {  	v3 =	vand.u32 $0x7, v3;
	v4 =	vand.u32 $0xFFFFFFE0, v56  }
0xbb: {  	v3 =	vor.u32 v3, v4  }
0xbc: {  	v4 =	vperm.xlane v3, v0;
	_ =	sdelay $0x1  }
0xbd: {  	v4 =	vadd.s32 v1, v4;
	_ =	sdelay $0x1  }
0xbe: {  	v3 =	vperm.xlane v3, v2;
	_ =	sdelay $0x1  }
0xbf: {  	v3 =	vadd.s32 v1, v3  }
0xc0: {  	[hbm4b:s4+s2] =	stream.indirect_vreg.scatter [tilespmem:s26], [sflag:$0x6], $0x80, v4, vm0, $0xb8;
	[tilespmem:$0x18200] =	vst v63  }
0xc1: {  	s1 =	rddreg [dreg:$0x16]  }
0xc2: {  	[hbm4b:s5+s2] =	stream.indirect_vreg.scatter [tilespmem:s1], [sflag:$0x6], $0x80, v4, vm0, $0xb8;
	[tilespmem:$0x18200] =	vst v63  }
0xc3: {  	s3 =	rddreg [dreg:$0x17]  }
0xc4: {  	[hbm4b:s4+s2] =	stream.indirect_vreg.scatter [tilespmem:s3], [sflag:$0x6], $0x80, v3, vm0, $0xb8;
	[tilespmem:$0x18200] =	vst v63  }
0xc5: {  	s1 =	rddreg [dreg:$0x18]  }
0xc6: {  	[hbm4b:s5+s2] =	stream.indirect_vreg.scatter [tilespmem:s1], [sflag:$0x6], $0x80, v3, vm0, $0xb8;
	[tilespmem:$0x18200] =	vst v63  }
0xc7: {  	v3 =	vld [tilespmem:$0x110];
	_ =	sdelay $0x4  }
0xc8: {  	v57 =	vshll.u32 v3, $0x2  }
0xc9: {  	v3 =	vand.u32 $0x7, v3;
	v4 =	vand.u32 $0xFFFFFFE0, v57  }
0xca: {  	v3 =	vor.u32 v3, v4  }
0xcb: {  	v4 =	vperm.xlane v3, v0;
	_ =	sdelay $0x1  }
0xcc: {  	v4 =	vadd.s32 v1, v4;
	_ =	sdelay $0x1  }
0xcd: {  	v3 =	vperm.xlane v3, v2;
	_ =	sdelay $0x1  }
0xce: {  	s1 =	rddreg [dreg:$0x19];
	v3 =	vadd.s32 v1, v3  }
0xcf: {  	[hbm4b:s4+s2] =	stream.indirect_vreg.scatter [tilespmem:s1], [sflag:$0x6], $0x80, v4, vm0, $0xb8;
	[tilespmem:$0x18200] =	vst v63  }
0xd0: {  	s3 =	rddreg [dreg:$0x1a]  }
0xd1: {  	[hbm4b:s5+s2] =	stream.indirect_vreg.scatter [tilespmem:s3], [sflag:$0x6], $0x80, v4, vm0, $0xb8;
	[tilespmem:$0x18200] =	vst v63  }
0xd2: {  	s1 =	rddreg [dreg:$0x1b]  }
0xd3: {  	[hbm4b:s4+s2] =	stream.indirect_vreg.scatter [tilespmem:s1], [sflag:$0x6], $0x80, v3, vm0, $0xb8;
	[tilespmem:$0x18200] =	vst v63  }
0xd4: {  	s3 =	rddreg [dreg:$0x1c]  }
0xd5: {  	[hbm4b:s5+s2] =	stream.indirect_vreg.scatter [tilespmem:s3], [sflag:$0x6], $0x80, v3, vm0, $0xb8;
	[tilespmem:$0x18200] =	vst v63  }
0xd6: {  	v3 =	vld [tilespmem:$0x120];
	_ =	sdelay $0x4  }
0xd7: {  	v58 =	vshll.u32 v3, $0x2  }
0xd8: {  	v3 =	vand.u32 $0x7, v3;
	v4 =	vand.u32 $0xFFFFFFE0, v58  }
0xd9: {  	v3 =	vor.u32 v3, v4  }
0xda: {  	v4 =	vperm.xlane v3, v0;
	_ =	sdelay $0x1  }
0xdb: {  	v4 =	vadd.s32 v1, v4;
	_ =	sdelay $0x1  }
0xdc: {  	v3 =	vperm.xlane v3, v2  }
0xdd: {  	s1 =	rddreg [dreg:$0x1d]  }
0xde: {  	s3 =	rddreg [dreg:$0x1e];
	v3 =	vadd.s32 v1, v3  }
0xdf: {  	[hbm4b:s4+s2] =	stream.indirect_vreg.scatter [tilespmem:s1], [sflag:$0x6], $0x80, v4, vm0, $0xb8;
	[tilespmem:$0x18200] =	vst v63  }
0xe0: {  	s1 =	rddreg [dreg:$0x1f]  }
0xe1: {  	[hbm4b:s5+s2] =	stream.indirect_vreg.scatter [tilespmem:s3], [sflag:$0x6], $0x80, v4, vm0, $0xb8;
	[tilespmem:$0x18200] =	vst v63  }
0xe2: {  	s3 =	sld [smem:$0x7F9]  }
0xe3: {  	[hbm4b:s4+s2] =	stream.indirect_vreg.scatter [tilespmem:s1], [sflag:$0x6], $0x80, v3, vm0, $0xb8;
	[tilespmem:$0x18200] =	vst v63  }
0xe4: {  	_ = 	snop  }
0xe5: {  	[hbm4b:s5+s2] =	stream.indirect_vreg.scatter [tilespmem:s3], [sflag:$0x6], $0x80, v3, vm0, $0xb8;
	[tilespmem:$0x18200] =	vst v63  }
0xe6: {  	v3 =	vld [tilespmem:$0x130];
	_ =	sdelay $0x4  }
0xe7: {  	v59 =	vshll.u32 v3, $0x2  }
0xe8: {  	v3 =	vand.u32 $0x7, v3;
	v4 =	vand.u32 $0xFFFFFFE0, v59  }
0xe9: {  	v3 =	vor.u32 v3, v4  }
0xea: {  	v4 =	vperm.xlane v3, v0;
	_ =	sdelay $0x1  }
0xeb: {  	v4 =	vadd.s32 v1, v4;
	_ =	sdelay $0x1  }
0xec: {  	s1 =	sld [smem:$0x7FA];
	v3 =	vperm.xlane v3, v2;
	_ =	sdelay $0x1  }
0xed: {  	s3 =	sld [smem:$0x7FB];
	v3 =	vadd.s32 v1, v3  }
0xee: {  	[hbm4b:s4+s2] =	stream.indirect_vreg.scatter [tilespmem:s1], [sflag:$0x6], $0x80, v4, vm0, $0xb8;
	[tilespmem:$0x18200] =	vst v63  }
0xef: {  	s1 =	sld [smem:$0x7FC]  }
0xf0: {  	[hbm4b:s5+s2] =	stream.indirect_vreg.scatter [tilespmem:s3], [sflag:$0x6], $0x80, v4, vm0, $0xb8;
	[tilespmem:$0x18200] =	vst v63  }
0xf1: {  	s3 =	sld [smem:$0x7FD]  }
0xf2: {  	[hbm4b:s4+s2] =	stream.indirect_vreg.scatter [tilespmem:s1], [sflag:$0x6], $0x80, v3, vm0, $0xb8;
	[tilespmem:$0x18200] =	vst v63  }
0xf3: {  	_ = 	snop  }
0xf4: {  	[hbm4b:s5+s2] =	stream.indirect_vreg.scatter [tilespmem:s3], [sflag:$0x6], $0x80, v3, vm0, $0xb8;
	[tilespmem:$0x18200] =	vst v63  }
0xf5: {  	_ =	swait.ge [sflag:s10], $0x8000  }
0xf6: {  	[sflag:s10] =	ssyncset.done $0x0  }
0xf7: {  	[sflag:s10] =	ssyncadd.s32 $0xFFFF8000  }
0xf8: {  	v3 =	vld [tilespmem:$0x180];
	_ =	sdelay $0x4  }
0xf9: {  	v60 =	vshll.u32 v3, $0x2  }
0xfa: {  	v3 =	vand.u32 $0x7, v3;
	v4 =	vand.u32 $0xFFFFFFE0, v60  }
0xfb: {  	v3 =	vor.u32 v3, v4  }
0xfc: {  	v4 =	vperm.xlane v3, v0;
	_ =	sdelay $0x1  }
0xfd: {  	v4 =	vadd.s32 v1, v4;
	_ =	sdelay $0x1  }
0xfe: {  	v3 =	vperm.xlane v3, v2;
	_ =	sdelay $0x1  }
0xff: {  	v3 =	vadd.s32 v1, v3  }
0x100: {  	[hbm4b:s4+s2] =	stream.indirect_vreg.scatter [tilespmem:s8], [sflag:$0x4], $0x80, v4, vm0, $0xb8;
	[tilespmem:$0x18200] =	vst v63  }
0x101: {  	_ = 	snop  }
0x102: {  	[hbm4b:s5+s2] =	stream.indirect_vreg.scatter [tilespmem:s11], [sflag:$0x4], $0x80, v4, vm0, $0xb8;
	[tilespmem:$0x18200] =	vst v63  }
0x103: {  	_ = 	snop  }
0x104: {  	[hbm4b:s4+s2] =	stream.indirect_vreg.scatter [tilespmem:s12], [sflag:$0x4], $0x80, v3, vm0, $0xb8;
	[tilespmem:$0x18200] =	vst v63  }
0x105: {  	_ = 	snop  }
0x106: {  	[hbm4b:s5+s2] =	stream.indirect_vreg.scatter [tilespmem:s13], [sflag:$0x4], $0x80, v3, vm0, $0xb8;
	[tilespmem:$0x18200] =	vst v63  }
0x107: {  	v3 =	vld [tilespmem:$0x190];
	_ =	sdelay $0x4  }
0x108: {  	v61 =	vshll.u32 v3, $0x2  }
0x109: {  	v3 =	vand.u32 $0x7, v3;
	v4 =	vand.u32 $0xFFFFFFE0, v61  }
0x10a: {  	v3 =	vor.u32 v3, v4  }
0x10b: {  	v4 =	vperm.xlane v3, v0;
	_ =	sdelay $0x1  }
0x10c: {  	v4 =	vadd.s32 v1, v4;
	_ =	sdelay $0x1  }
0x10d: {  	v3 =	vperm.xlane v3, v2;
	_ =	sdelay $0x1  }
0x10e: {  	v3 =	vadd.s32 v1, v3  }
0x10f: {  	[hbm4b:s4+s2] =	stream.indirect_vreg.scatter [tilespmem:s14], [sflag:$0x4], $0x80, v4, vm0, $0xb8;
	[tilespmem:$0x18200] =	vst v63  }
0x110: {  	_ = 	snop  }
0x111: {  	[hbm4b:s5+s2] =	stream.indirect_vreg.scatter [tilespmem:s15], [sflag:$0x4], $0x80, v4, vm0, $0xb8;
	[tilespmem:$0x18200] =	vst v63  }
0x112: {  	_ = 	snop  }
0x113: {  	[hbm4b:s4+s2] =	stream.indirect_vreg.scatter [tilespmem:s16], [sflag:$0x4], $0x80, v3, vm0, $0xb8;
	[tilespmem:$0x18200] =	vst v63  }
0x114: {  	_ = 	snop  }
0x115: {  	[hbm4b:s5+s2] =	stream.indirect_vreg.scatter [tilespmem:s17], [sflag:$0x4], $0x80, v3, vm0, $0xb8;
	[tilespmem:$0x18200] =	vst v63  }
0x116: {  	v3 =	vld [tilespmem:$0x1A0];
	_ =	sdelay $0x4  }
0x117: {  	v62 =	vshll.u32 v3, $0x2  }
0x118: {  	v3 =	vand.u32 $0x7, v3;
	v4 =	vand.u32 $0xFFFFFFE0, v62  }
0x119: {  	v3 =	vor.u32 v3, v4  }
0x11a: {  	v4 =	vperm.xlane v3, v0;
	_ =	sdelay $0x1  }
0x11b: {  	v4 =	vadd.s32 v1, v4;
	_ =	sdelay $0x1  }
0x11c: {  	v3 =	vperm.xlane v3, v2;
	_ =	sdelay $0x1  }
0x11d: {  	v3 =	vadd.s32 v1, v3  }
0x11e: {  	[hbm4b:s4+s2] =	stream.indirect_vreg.scatter [tilespmem:s18], [sflag:$0x4], $0x80, v4, vm0, $0xb8;
	[tilespmem:$0x18200] =	vst v63  }
0x11f: {  	_ = 	snop  }
0x120: {  	[hbm4b:s5+s2] =	stream.indirect_vreg.scatter [tilespmem:s19], [sflag:$0x4], $0x80, v4, vm0, $0xb8;
	[tilespmem:$0x18200] =	vst v63  }
0x121: {  	_ = 	snop  }
0x122: {  	[hbm4b:s4+s2] =	stream.indirect_vreg.scatter [tilespmem:s20], [sflag:$0x4], $0x80, v3, vm0, $0xb8;
	[tilespmem:$0x18200] =	vst v63  }
0x123: {  	_ = 	snop  }
0x124: {  	[hbm4b:s5+s2] =	stream.indirect_vreg.scatter [tilespmem:s21], [sflag:$0x4], $0x80, v3, vm0, $0xb8;
	[tilespmem:$0x18200] =	vst v63  }
0x125: {  	v3 =	vld [tilespmem:$0x1B0];
	_ =	sdelay $0x4  }
0x126: {  	v63 =	vshll.u32 v3, $0x2  }
0x127: {  	v3 =	vand.u32 $0x7, v3;
	v4 =	vand.u32 $0xFFFFFFE0, v63  }
0x128: {  	v3 =	vor.u32 v3, v4  }
0x129: {  	v4 =	vperm.xlane v3, v0;
	_ =	sdelay $0x1  }
0x12a: {  	v4 =	vadd.s32 v1, v4;
	_ =	sdelay $0x1  }
0x12b: {  	v3 =	vperm.xlane v3, v2;
	_ =	sdelay $0x1  }
0x12c: {  	v3 =	vadd.s32 v1, v3  }
0x12d: {  	[hbm4b:s4+s2] =	stream.indirect_vreg.scatter [tilespmem:s22], [sflag:$0x4], $0x80, v4, vm0, $0xb8;
	[tilespmem:$0x18200] =	vst v63  }
0x12e: {  	_ = 	snop  }
0x12f: {  	[hbm4b:s5+s2] =	stream.indirect_vreg.scatter [tilespmem:s23], [sflag:$0x4], $0x80, v4, vm0, $0xb8;
	[tilespmem:$0x18200] =	vst v63  }
0x130: {  	_ = 	snop  }
0x131: {  	[hbm4b:s4+s2] =	stream.indirect_vreg.scatter [tilespmem:s24], [sflag:$0x4], $0x80, v3, vm0, $0xb8;
	[tilespmem:$0x18200] =	vst v63  }
0x132: {  	_ = 	snop  }
0x133: {  	[hbm4b:s5+s2] =	stream.indirect_vreg.scatter [tilespmem:s25], [sflag:$0x4], $0x80, v3, vm0, $0xb8;
	[tilespmem:$0x18200] =	vst v63  }
0x134: {  	_ =	swait.ge [sflag:s31], $0x8000  }
0x135: {  	[sflag:s31] =	ssyncset.done $0x0  }
0x136: {  	[sflag:s31] =	ssyncadd.s32 $0xFFFF8000  }
0x137: {  	p0 =	sne.s32 s6, $0x1;
	_ =	swait.ge [sflag:s0], $0x8000  }
.Ltmp0:
0x138: {  	[sflag:s0] =	ssyncset.done $0x0;
	(pc) =	sbr.rel @p0 .LBB2_1-.Ltmp0, $4  }
0x139: {  	[sflag:s0] =	ssyncadd.s32 $0xFFFF8000  }
0x13a: {  	_ =	swait.ge [sflag:s29], $0x8000  }
0x13b: {  	[sflag:s29] =	ssyncset.done $0x0  }
0x13c: {  	s6 =	sadd.s32 $0xFFFFFFFF, s6;
	[sflag:s29] =	ssyncadd.s32 $0xFFFF8000  }
0x13d: {  	_ =	sfence.sel $0x180000  }
0x13e: {  	[bflag:$0x0] =	sbarrier.arrive $0xFFFF  }
0x13f: {  	_ =	strace $0x90000047  }
0x140: {  	s0 =	stileid.u32;
	[bflag:$0x2] =	sbarrier.arrive $0xFFFF  }
0x141: {  	p0 =	sne.s32 s0, $0x0;
	s0 =	rddreg [dreg:$0x2]  }
0x142: {  	s0 =	sadd.s32 @!p0 $0x100000, s0  }
0x143: {  	[sflag:s0] =	ssyncadd.tile.s32 @!p0 $0x1;
	_ =	shalt  }
.Lfunc_end2:
_tile_overlayer_lowered:
.L_overlay_start_2:
0x144: {  	(tag) =	ssettag $0x2  }
0x145: {  	s0 =	rddreg [dreg:$0x0];
	s2 =	stileid.u32  }
0x146: {  	s1 =	rddreg [dreg:$0x1];
	p0 =	sne.s32 s2, $0x0  }
0x147: {  	s3 =	rddreg [dreg:$0x2];
	[bflag:$0x3] =	sbarrier.arrive $0xFFFF;
	s2 =	simm.s32 @!p0 $0x1C07  }
0x148: {  	[timem:s3], [sflag:s2] =	dma.local @!p0 [hbm:s0], s1  }
0x149: {  	s0 =	simm.s32 @!p0 $0x7  }
0x14a: {  	_ =	swait.ge @!p0 [sflag:s0], s1  }
0x14b: {  	s1 =	ssub.s32 @!p0 $0x0, s1;
	[sflag:s0] =	ssyncset.done @!p0 $0x0  }
0x14c: {  	[sflag:s0] =	ssyncadd.s32 @!p0 s1  }
0x14d: {  	[bflag:$0x3] =	sbarrier.arrive $0xFFFF  }
0x14e: {  	_ =	shalt  }

</sc_bundles>
